<compile_context>
chip_gen: v7x
topology: tpu7x:2x2x1
jax: 0.10.2.dev20260603
libtpu: 0.0.44.dev20260713+nightly
codegen_flags: <defaults>
</compile_context>

<pallas_src>
import functools

import jax
import jax.numpy as jnp
from jax import lax
from jax.experimental import pallas as pl
from jax.experimental.pallas import tpu as pltpu
from jax.experimental.pallas import tpu_sc as plsc

NP = 10240
DP = 40
NTILES = 32
ROWS_PER_TILE = NP // 16

_mesh = plsc.VectorSubcoreMesh(core_axis_name="c", subcore_axis_name="s")


def _deg_kernel_factory(ept):
  @functools.partial(
      pl.kernel,
      out_type=jax.ShapeDtypeStruct((NTILES, NP), jnp.float32),
      mesh=_mesh,
      scratch_types=[
          pltpu.VMEM((ept,), jnp.int32),
          pltpu.VMEM((NP,), jnp.float32),
      ],
      compiler_params=pltpu.CompilerParams(needs_layout_passes=False,
                                           use_tc_tiling_on_sc=False),
  )
  def deg_kernel(edge_hbm, out_hbm, idx_v, deg_v):
    c = lax.axis_index("c")
    s = lax.axis_index("s")
    wid = s * 2 + c

    def zero_body(i, carry):
      for u in range(8):
        deg_v[pl.ds(i * 128 + u * 16, 16)] = jnp.zeros((16,), jnp.float32)
      return carry

    lax.fori_loop(0, NP // 128, zero_body, 0)

    pltpu.sync_copy(edge_hbm.at[1, pl.ds(wid * ept, ept)], idx_v)

    ones = jnp.ones((16,), jnp.float32)

    def body(i, carry):
      for u in range(8):
        idx = idx_v[pl.ds(i * 128 + u * 16, 16)]
        plsc.addupdate_scatter(deg_v, [idx], ones)
      return carry

    lax.fori_loop(0, ept // 128, body, 0)
    for u in range((ept % 128) // 16):
      idx = idx_v[pl.ds((ept // 128) * 128 + u * 16, 16)]
      plsc.addupdate_scatter(deg_v, [idx], ones)

    pltpu.sync_copy(deg_v, out_hbm.at[wid])

  return deg_kernel


NBUF = 2
CH = 200


def _prop_kernel_factory(ept):
  n_chunks = ept // CH
  n_groups = n_chunks // NBUF

  @functools.partial(
      pl.kernel,
      out_type=jax.ShapeDtypeStruct((2, NP, DP), jnp.float32),
      mesh=_mesh,
      scratch_types=[
          pltpu.VMEM((ept,), jnp.int32),
          pltpu.VMEM((ept,), jnp.int32),
          pltpu.VMEM((2, NBUF, CH, DP), jnp.float32),
          pltpu.VMEM_SHARED((NP, DP), jnp.float32),
          pltpu.VMEM_SHARED((NP, DP), jnp.float32),
          pltpu.SemaphoreType.DMA,
          pltpu.SemaphoreType.DMA,
      ],
      compiler_params=pltpu.CompilerParams(use_tc_tiling_on_sc=False),
  )
  def prop_kernel(g_hbm, edge_hbm, zeros_hbm, out_hbm, sidx_v, didx_v,
                  rows_v, acc_sh, gtab_sh, gsem, ssem):
    c = lax.axis_index("c")
    s = lax.axis_index("s")
    wid = s * 2 + c

    rslice = pl.ds(s * ROWS_PER_TILE, ROWS_PER_TILE)

    @pl.when(c == 0)
    def _():
      pltpu.async_copy(g_hbm.at[rslice], acc_sh.at[rslice], gsem)

    @pl.when(c == 1)
    def _():
      pltpu.async_copy(zeros_hbm.at[rslice], acc_sh.at[rslice], gsem)

    pltpu.async_copy(edge_hbm.at[0, pl.ds(wid * ept, ept)], sidx_v, gsem)
    pltpu.async_copy(edge_hbm.at[1, pl.ds(wid * ept, ept)], didx_v, gsem)
    pltpu.async_copy(g_hbm.at[rslice], gtab_sh.at[rslice], gsem)

    pltpu.make_async_copy(zeros_hbm.at[rslice], acc_sh.at[rslice], gsem).wait()
    pltpu.make_async_copy(edge_hbm.at[0, pl.ds(wid * ept, ept)], sidx_v,
                          gsem).wait()
    pltpu.make_async_copy(edge_hbm.at[1, pl.ds(wid * ept, ept)], didx_v,
                          gsem).wait()
    pltpu.make_async_copy(g_hbm.at[rslice], gtab_sh.at[rslice], gsem).wait()

    plsc.subcore_barrier()

    def gather_start(g, p, k):
      pltpu.async_copy(gtab_sh.at[sidx_v.at[pl.ds((g * NBUF + k) * CH, CH)]],
                       rows_v.at[p, k], gsem)

    def gather_wait(g, p, k):
      pltpu.make_async_copy(
          gtab_sh.at[sidx_v.at[pl.ds((g * NBUF + k) * CH, CH)]],
          rows_v.at[p, k], gsem).wait()

    def scatter_start(g, p, k):
      pltpu.async_copy(rows_v.at[p, k],
                       acc_sh.at[didx_v.at[pl.ds((g * NBUF + k) * CH, CH)]],
                       ssem, add=True)

    def scatter_wait(g, p, k):
      pltpu.make_async_copy(
          rows_v.at[p, k],
          acc_sh.at[didx_v.at[pl.ds((g * NBUF + k) * CH, CH)]], ssem).wait()

    for k in range(NBUF):
      gather_start(0, 0, k)

    def group_body(g, carry):
      p = lax.rem(g, 2)
      for k in range(NBUF):
        gather_wait(g, p, k)

      @pl.when(g < n_groups - 1)
      def _():
        for k in range(NBUF):
          gather_start(g + 1, 1 - p, k)

      for k in range(NBUF):
        scatter_start(g, p, k)
      for k in range(NBUF):
        scatter_wait(g, p, k)
      return carry

    lax.fori_loop(0, n_groups, group_body, 0)

    plsc.subcore_barrier()

    pltpu.sync_copy(acc_sh.at[pl.ds(s * ROWS_PER_TILE, ROWS_PER_TILE)],
                    out_hbm.at[c, pl.ds(s * ROWS_PER_TILE, ROWS_PER_TILE)])

  return prop_kernel


def _mm_body(cnt_ref, x_ref, w_ref, g_ref, dinv_ref):
  deg = jnp.sum(cnt_ref[...], axis=0) + 1.0
  dinv = lax.rsqrt(deg)
  h = jnp.dot(x_ref[...], w_ref[...], preferred_element_type=jnp.float32)
  g_ref[...] = h * dinv[:, None]
  dinv_ref[...] = dinv[None, :]


def _fin_body(s_ref, dinv_ref, b_ref, o_ref):
  t = s_ref[0] + s_ref[1]
  o_ref[...] = t * dinv_ref[0][:, None] + b_ref[...]


def kernel(x, edge_index, W, b):
  n = x.shape[0]
  e = edge_index.shape[1]
  d_out = W.shape[1]

  ei = edge_index.astype(jnp.int32)
  ept = e // NTILES

  Wp = jnp.pad(W, ((0, 0), (0, DP - d_out)))
  b2 = jnp.pad(b, (0, DP - d_out))[None, :]

  cnt = _deg_kernel_factory(ept)(ei)

  blk = 1024
  g, dinv = pl.pallas_call(
      _mm_body,
      grid=(NP // blk,),
      in_specs=[
          pl.BlockSpec((NTILES, blk), lambda i: (0, i)),
          pl.BlockSpec((blk, 128), lambda i: (i, 0)),
          pl.BlockSpec((128, DP), lambda i: (0, 0)),
      ],
      out_specs=[
          pl.BlockSpec((blk, DP), lambda i: (i, 0)),
          pl.BlockSpec((1, blk), lambda i: (0, i)),
      ],
      out_shape=[
          jax.ShapeDtypeStruct((NP, DP), jnp.float32),
          jax.ShapeDtypeStruct((1, NP), jnp.float32),
      ],
  )(cnt, x, Wp)

  zeros = jnp.zeros((NP, DP), jnp.float32)
  S = _prop_kernel_factory(ept)(g, ei, zeros)

  outp = pl.pallas_call(
      _fin_body,
      grid=(NP // blk,),
      in_specs=[
          pl.BlockSpec((2, blk, DP), lambda i: (0, i, 0)),
          pl.BlockSpec((1, blk), lambda i: (0, i)),
          pl.BlockSpec((1, DP), lambda i: (0, 0)),
      ],
      out_specs=pl.BlockSpec((blk, DP), lambda i: (i, 0)),
      out_shape=jax.ShapeDtypeStruct((n, DP), jnp.float32),
  )(S, dinv, b2)

  return outp[:, :d_out]

# --- scband reference (transcript-rebuilt; emitter-appended) ---
"""Pipeline reference for scband-sgc1-15839839387792 (READ-ONLY COPY).

The authoritative reference and input builder live on the scoring server;
editing this copy changes nothing except your own understanding.
"""

import jax, jax.numpy as jnp
import numpy as np

N_NODES = 10000
N_EDGES = 320000
N_FEAT = 128
N_CLASS = 40

def setup_inputs(seed: int = 0) -> dict:
    key = jax.random.key(seed)
    k1, k2, k3, k4 = jax.random.split(key, 4)
    x = jax.random.normal(k1, (N_NODES, N_FEAT), dtype=jnp.float32)
    edge_index = jax.random.randint(k2, (2, N_EDGES), 0, N_NODES, dtype=jnp.int64)
    # SGConv linear layer params: Linear(nfeat, nclass) with bias
    W = jax.random.normal(k3, (N_FEAT, N_CLASS), dtype=jnp.float32) * (1.0 / np.sqrt(N_FEAT))
    b = jax.random.normal(k4, (N_CLASS,), dtype=jnp.float32) * 0.01
    return {"x": x, "edge_index": edge_index, "W": W, "b": b}

def reference(x, edge_index, W, b):
    # SGConv(K=1): one step of symmetric-normalized GCN propagation (with self-loops),
    # followed by a linear projection to nclass.
    N = x.shape[0]
    src = edge_index[0]
    dst = edge_index[1]
    # add self-loops (gcn_norm default add_self_loops=True)
    loop = jnp.arange(N, dtype=src.dtype)
    src = jnp.concatenate([src, loop])
    dst = jnp.concatenate([dst, loop])
    ew = jnp.ones(src.shape[0], dtype=x.dtype)
    # degree computed on dst (col)
    deg = jnp.zeros((N,), dtype=x.dtype).at[dst].add(ew)
    deg_inv_sqrt = jnp.where(deg > 0, deg ** -0.5, 0.0)
    norm = deg_inv_sqrt[src] * ew * deg_inv_sqrt[dst]
    # propagate: message = norm * x[src]; aggregate = scatter-add at dst
    msg = x[src] * norm[:, None]
    out = jnp.zeros_like(x).at[dst].add(msg)
    # linear projection
    return out @ W + b

if __name__ == "__main__":
    import jax
    _d = setup_inputs()
    print(jax.jit(kernel)(*tuple(_d.values())))

</pallas_src>

<mosaic_0001>
#map = affine_map<(d0, d1) -> (0, 0)>
module attributes {stable_mosaic.version = 14 : i64} {
  func.func @deg_kernel(%arg0: i32, %arg1: i32, %arg2: memref<2x320000xi32, #tpu.memory_space<hbm>>, %arg3: memref<32x10240xf32, #tpu.memory_space<hbm>>, %arg4: memref<10000xi32, #tpu.memory_space<vmem>>, %arg5: memref<10240xf32, #tpu.memory_space<vmem>>) attributes {dimension_semantics = [#tpu.dimension_semantics<core_parallel>, #tpu.dimension_semantics<subcore_parallel>], iteration_bounds = array<i64: 2, 16>, scalar_prefetch = 0 : i64, scratch_operands = 2 : i64, tpu.core_type = #tpu.core_type<sc_vector_subcore>, window_params = [{transform_indices = #map}, {transform_indices = #map}]} {
    %mul3A = arith.constant 2 : i32
    %mul3A_0 = arith.muli %arg1, %mul3A : i32
    %add3A = arith.addi %mul3A_0, %arg0 : i32
    %scan3A = arith.constant 0 : i32
    %scan3A_1 = arith.constant 0 : i32
    %scan3A_2 = arith.constant 80 : i32
    %scan3A_3 = arith.addi %scan3A_1, %scan3A_2 : i32
    %scan3A_4 = arith.constant 1 : i32
    scf.for %scan3A_16 = %scan3A_1 to %scan3A_3 step %scan3A_4  : i32 {
      %broadcast_in_dim3A_17 = arith.constant 0.000000e+00 : f32
      %broadcast_in_dim3A_18 = vector.broadcast %broadcast_in_dim3A_17 : f32 to vector<16xf32>
      %mul3A_19 = arith.constant 128 : i32
      %mul3A_20 = arith.muli %scan3A_16, %mul3A_19 : i32
      %add3A_21 = arith.constant 0 : i32
      %add3A_22 = arith.addi %mul3A_20, %add3A_21 : i32
      %swap3A = arith.index_cast %add3A_22 : i32 to index
      %swap3A_23 = tpu.vector_load %arg5[%swap3A] {strides = array<i32>} : memref<10240xf32, #tpu.memory_space<vmem>>, vector<16xf32>,
      tpu.vector_store %arg5[%swap3A], %broadcast_in_dim3A_18 {strides = array<i32>} : memref<10240xf32, #tpu.memory_space<vmem>>, vector<16xf32>,
      %broadcast_in_dim3A_24 = arith.constant 0.000000e+00 : f32
      %broadcast_in_dim3A_25 = vector.broadcast %broadcast_in_dim3A_24 : f32 to vector<16xf32>
      %mul3A_26 = arith.constant 128 : i32
      %mul3A_27 = arith.muli %scan3A_16, %mul3A_26 : i32
      %add3A_28 = arith.constant 16 : i32
      %add3A_29 = arith.addi %mul3A_27, %add3A_28 : i32
      %swap3A_30 = arith.index_cast %add3A_29 : i32 to index
      %swap3A_31 = tpu.vector_load %arg5[%swap3A_30] {strides = array<i32>} : memref<10240xf32, #tpu.memory_space<vmem>>, vector<16xf32>,
      tpu.vector_store %arg5[%swap3A_30], %broadcast_in_dim3A_25 {strides = array<i32>} : memref<10240xf32, #tpu.memory_space<vmem>>, vector<16xf32>,
      %broadcast_in_dim3A_32 = arith.constant 0.000000e+00 : f32
      %broadcast_in_dim3A_33 = vector.broadcast %broadcast_in_dim3A_32 : f32 to vector<16xf32>
      %mul3A_34 = arith.constant 128 : i32
      %mul3A_35 = arith.muli %scan3A_16, %mul3A_34 : i32
      %add3A_36 = arith.constant 32 : i32
      %add3A_37 = arith.addi %mul3A_35, %add3A_36 : i32
      %swap3A_38 = arith.index_cast %add3A_37 : i32 to index
      %swap3A_39 = tpu.vector_load %arg5[%swap3A_38] {strides = array<i32>} : memref<10240xf32, #tpu.memory_space<vmem>>, vector<16xf32>,
      tpu.vector_store %arg5[%swap3A_38], %broadcast_in_dim3A_33 {strides = array<i32>} : memref<10240xf32, #tpu.memory_space<vmem>>, vector<16xf32>,
      %broadcast_in_dim3A_40 = arith.constant 0.000000e+00 : f32
      %broadcast_in_dim3A_41 = vector.broadcast %broadcast_in_dim3A_40 : f32 to vector<16xf32>
      %mul3A_42 = arith.constant 128 : i32
      %mul3A_43 = arith.muli %scan3A_16, %mul3A_42 : i32
      %add3A_44 = arith.constant 48 : i32
      %add3A_45 = arith.addi %mul3A_43, %add3A_44 : i32
      %swap3A_46 = arith.index_cast %add3A_45 : i32 to index
      %swap3A_47 = tpu.vector_load %arg5[%swap3A_46] {strides = array<i32>} : memref<10240xf32, #tpu.memory_space<vmem>>, vector<16xf32>,
      tpu.vector_store %arg5[%swap3A_46], %broadcast_in_dim3A_41 {strides = array<i32>} : memref<10240xf32, #tpu.memory_space<vmem>>, vector<16xf32>,
      %broadcast_in_dim3A_48 = arith.constant 0.000000e+00 : f32
      %broadcast_in_dim3A_49 = vector.broadcast %broadcast_in_dim3A_48 : f32 to vector<16xf32>
      %mul3A_50 = arith.constant 128 : i32
      %mul3A_51 = arith.muli %scan3A_16, %mul3A_50 : i32
      %add3A_52 = arith.constant 64 : i32
      %add3A_53 = arith.addi %mul3A_51, %add3A_52 : i32
      %swap3A_54 = arith.index_cast %add3A_53 : i32 to index
      %swap3A_55 = tpu.vector_load %arg5[%swap3A_54] {strides = array<i32>} : memref<10240xf32, #tpu.memory_space<vmem>>, vector<16xf32>,
      tpu.vector_store %arg5[%swap3A_54], %broadcast_in_dim3A_49 {strides = array<i32>} : memref<10240xf32, #tpu.memory_space<vmem>>, vector<16xf32>,
      %broadcast_in_dim3A_56 = arith.constant 0.000000e+00 : f32
      %broadcast_in_dim3A_57 = vector.broadcast %broadcast_in_dim3A_56 : f32 to vector<16xf32>
      %mul3A_58 = arith.constant 128 : i32
      %mul3A_59 = arith.muli %scan3A_16, %mul3A_58 : i32
      %add3A_60 = arith.constant 80 : i32
      %add3A_61 = arith.addi %mul3A_59, %add3A_60 : i32
      %swap3A_62 = arith.index_cast %add3A_61 : i32 to index
      %swap3A_63 = tpu.vector_load %arg5[%swap3A_62] {strides = array<i32>} : memref<10240xf32, #tpu.memory_space<vmem>>, vector<16xf32>,
      tpu.vector_store %arg5[%swap3A_62], %broadcast_in_dim3A_57 {strides = array<i32>} : memref<10240xf32, #tpu.memory_space<vmem>>, vector<16xf32>,
      %broadcast_in_dim3A_64 = arith.constant 0.000000e+00 : f32
      %broadcast_in_dim3A_65 = vector.broadcast %broadcast_in_dim3A_64 : f32 to vector<16xf32>
      %mul3A_66 = arith.constant 128 : i32
      %mul3A_67 = arith.muli %scan3A_16, %mul3A_66 : i32
      %add3A_68 = arith.constant 96 : i32
      %add3A_69 = arith.addi %mul3A_67, %add3A_68 : i32
      %swap3A_70 = arith.index_cast %add3A_69 : i32 to index
      %swap3A_71 = tpu.vector_load %arg5[%swap3A_70] {strides = array<i32>} : memref<10240xf32, #tpu.memory_space<vmem>>, vector<16xf32>,
      tpu.vector_store %arg5[%swap3A_70], %broadcast_in_dim3A_65 {strides = array<i32>} : memref<10240xf32, #tpu.memory_space<vmem>>, vector<16xf32>,
      %broadcast_in_dim3A_72 = arith.constant 0.000000e+00 : f32
      %broadcast_in_dim3A_73 = vector.broadcast %broadcast_in_dim3A_72 : f32 to vector<16xf32>
      %mul3A_74 = arith.constant 128 : i32
      %mul3A_75 = arith.muli %scan3A_16, %mul3A_74 : i32
      %add3A_76 = arith.constant 112 : i32
      %add3A_77 = arith.addi %mul3A_75, %add3A_76 : i32
      %swap3A_78 = arith.index_cast %add3A_77 : i32 to index
      %swap3A_79 = tpu.vector_load %arg5[%swap3A_78] {strides = array<i32>} : memref<10240xf32, #tpu.memory_space<vmem>>, vector<16xf32>,
      tpu.vector_store %arg5[%swap3A_78], %broadcast_in_dim3A_73 {strides = array<i32>} : memref<10240xf32, #tpu.memory_space<vmem>>, vector<16xf32>,
    }
    %scan3A_5 = arith.constant 80 : i32
    %mul3A_6 = arith.constant 10000 : i32
    %mul3A_7 = arith.muli %add3A, %mul3A_6 : i32
    %run_scoped3A = arith.constant 1 : i32
    "tpu.region"() ({
      %run_scoped3A_16 = tpu.sem_alloc : memref<!tpu.dma_semaphore, #tpu.memory_space<semaphore_mem>>
      %dma_start3A = tpu.memref_slice %arg2[%run_scoped3A, %mul3A_7] : memref<2x320000xi32, #tpu.memory_space<hbm>> -> memref<1x10000xi32, #tpu.memory_space<hbm>>
      %dma_start3A_17 = tpu.memref_squeeze %dma_start3A : memref<1x10000xi32, #tpu.memory_space<hbm>> -> memref<10000xi32, #tpu.memory_space<hbm>>
      %dma_start3A_18 = tpu.memref_slice %arg2[%run_scoped3A, %mul3A_7] : memref<2x320000xi32, #tpu.memory_space<hbm>> -> memref<1x10000xi32, #tpu.memory_space<hbm>>
      %dma_start3A_19 = tpu.memref_squeeze %dma_start3A_18 : memref<1x10000xi32, #tpu.memory_space<hbm>> -> memref<10000xi32, #tpu.memory_space<hbm>>
      tpu.enqueue_dma source(%dma_start3A_19 : memref<10000xi32, #tpu.memory_space<hbm>>) target(%arg4 : memref<10000xi32, #tpu.memory_space<vmem>>) target_semaphore(%run_scoped3A_16 : memref<!tpu.dma_semaphore, #tpu.memory_space<semaphore_mem>>)
      %dma_wait3A = tpu.memref_slice %arg2[%run_scoped3A, %mul3A_7] : memref<2x320000xi32, #tpu.memory_space<hbm>> -> memref<1x10000xi32, #tpu.memory_space<hbm>>
      %dma_wait3A_20 = tpu.memref_squeeze %dma_wait3A : memref<1x10000xi32, #tpu.memory_space<hbm>> -> memref<10000xi32, #tpu.memory_space<hbm>>
      %dma_wait3A_21 = tpu.memref_slice %arg2[%run_scoped3A, %mul3A_7] : memref<2x320000xi32, #tpu.memory_space<hbm>> -> memref<1x10000xi32, #tpu.memory_space<hbm>>
      %dma_wait3A_22 = tpu.memref_squeeze %dma_wait3A_21 : memref<1x10000xi32, #tpu.memory_space<hbm>> -> memref<10000xi32, #tpu.memory_space<hbm>>
      tpu.wait_dma2 semaphore(%run_scoped3A_16 : memref<!tpu.dma_semaphore, #tpu.memory_space<semaphore_mem>>) src(%dma_wait3A_22 : memref<10000xi32, #tpu.memory_space<hbm>>) dst(%arg4 : memref<10000xi32, #tpu.memory_space<vmem>>)
      tpu.yield
    }) : () -> ()
    %broadcast_in_dim3A = arith.constant 1.000000e+00 : f32
    %broadcast_in_dim3A_8 = vector.broadcast %broadcast_in_dim3A : f32 to vector<16xf32>
    %scan3A_9 = arith.constant 0 : i32
    %scan3A_10 = arith.constant 0 : i32
    %scan3A_11 = arith.constant 78 : i32
    %scan3A_12 = arith.addi %scan3A_10, %scan3A_11 : i32
    %scan3A_13 = arith.constant 1 : i32
    scf.for %scan3A_16 = %scan3A_10 to %scan3A_12 step %scan3A_13  : i32 {
      %mul3A_17 = arith.constant 128 : i32
      %mul3A_18 = arith.muli %scan3A_16, %mul3A_17 : i32
      %add3A_19 = arith.constant 0 : i32
      %add3A_20 = arith.addi %mul3A_18, %add3A_19 : i32
      %get3A_21 = arith.index_cast %add3A_20 : i32 to index
      %get3A_22 = tpu.vector_load %arg4[%get3A_21] {strides = array<i32>} : memref<10000xi32, #tpu.memory_space<vmem>>, vector<16xi32>,
      tpu.vector_store_idx %arg5[%get3A_22], %broadcast_in_dim3A_8 {add = true} : memref<10240xf32, #tpu.memory_space<vmem>>[vector<16xi32>], vector<16xf32>,
      %mul3A_23 = arith.constant 128 : i32
      %mul3A_24 = arith.muli %scan3A_16, %mul3A_23 : i32
      %add3A_25 = arith.constant 16 : i32
      %add3A_26 = arith.addi %mul3A_24, %add3A_25 : i32
      %get3A_27 = arith.index_cast %add3A_26 : i32 to index
      %get3A_28 = tpu.vector_load %arg4[%get3A_27] {strides = array<i32>} : memref<10000xi32, #tpu.memory_space<vmem>>, vector<16xi32>,
      tpu.vector_store_idx %arg5[%get3A_28], %broadcast_in_dim3A_8 {add = true} : memref<10240xf32, #tpu.memory_space<vmem>>[vector<16xi32>], vector<16xf32>,
      %mul3A_29 = arith.constant 128 : i32
      %mul3A_30 = arith.muli %scan3A_16, %mul3A_29 : i32
      %add3A_31 = arith.constant 32 : i32
      %add3A_32 = arith.addi %mul3A_30, %add3A_31 : i32
      %get3A_33 = arith.index_cast %add3A_32 : i32 to index
      %get3A_34 = tpu.vector_load %arg4[%get3A_33] {strides = array<i32>} : memref<10000xi32, #tpu.memory_space<vmem>>, vector<16xi32>,
      tpu.vector_store_idx %arg5[%get3A_34], %broadcast_in_dim3A_8 {add = true} : memref<10240xf32, #tpu.memory_space<vmem>>[vector<16xi32>], vector<16xf32>,
      %mul3A_35 = arith.constant 128 : i32
      %mul3A_36 = arith.muli %scan3A_16, %mul3A_35 : i32
      %add3A_37 = arith.constant 48 : i32
      %add3A_38 = arith.addi %mul3A_36, %add3A_37 : i32
      %get3A_39 = arith.index_cast %add3A_38 : i32 to index
      %get3A_40 = tpu.vector_load %arg4[%get3A_39] {strides = array<i32>} : memref<10000xi32, #tpu.memory_space<vmem>>, vector<16xi32>,
      tpu.vector_store_idx %arg5[%get3A_40], %broadcast_in_dim3A_8 {add = true} : memref<10240xf32, #tpu.memory_space<vmem>>[vector<16xi32>], vector<16xf32>,
      %mul3A_41 = arith.constant 128 : i32
      %mul3A_42 = arith.muli %scan3A_16, %mul3A_41 : i32
      %add3A_43 = arith.constant 64 : i32
      %add3A_44 = arith.addi %mul3A_42, %add3A_43 : i32
      %get3A_45 = arith.index_cast %add3A_44 : i32 to index
      %get3A_46 = tpu.vector_load %arg4[%get3A_45] {strides = array<i32>} : memref<10000xi32, #tpu.memory_space<vmem>>, vector<16xi32>,
      tpu.vector_store_idx %arg5[%get3A_46], %broadcast_in_dim3A_8 {add = true} : memref<10240xf32, #tpu.memory_space<vmem>>[vector<16xi32>], vector<16xf32>,
      %mul3A_47 = arith.constant 128 : i32
      %mul3A_48 = arith.muli %scan3A_16, %mul3A_47 : i32
      %add3A_49 = arith.constant 80 : i32
      %add3A_50 = arith.addi %mul3A_48, %add3A_49 : i32
      %get3A_51 = arith.index_cast %add3A_50 : i32 to index
      %get3A_52 = tpu.vector_load %arg4[%get3A_51] {strides = array<i32>} : memref<10000xi32, #tpu.memory_space<vmem>>, vector<16xi32>,
      tpu.vector_store_idx %arg5[%get3A_52], %broadcast_in_dim3A_8 {add = true} : memref<10240xf32, #tpu.memory_space<vmem>>[vector<16xi32>], vector<16xf32>,
      %mul3A_53 = arith.constant 128 : i32
      %mul3A_54 = arith.muli %scan3A_16, %mul3A_53 : i32
      %add3A_55 = arith.constant 96 : i32
      %add3A_56 = arith.addi %mul3A_54, %add3A_55 : i32
      %get3A_57 = arith.index_cast %add3A_56 : i32 to index
      %get3A_58 = tpu.vector_load %arg4[%get3A_57] {strides = array<i32>} : memref<10000xi32, #tpu.memory_space<vmem>>, vector<16xi32>,
      tpu.vector_store_idx %arg5[%get3A_58], %broadcast_in_dim3A_8 {add = true} : memref<10240xf32, #tpu.memory_space<vmem>>[vector<16xi32>], vector<16xf32>,
      %mul3A_59 = arith.constant 128 : i32
      %mul3A_60 = arith.muli %scan3A_16, %mul3A_59 : i32
      %add3A_61 = arith.constant 112 : i32
      %add3A_62 = arith.addi %mul3A_60, %add3A_61 : i32
      %get3A_63 = arith.index_cast %add3A_62 : i32 to index
      %get3A_64 = tpu.vector_load %arg4[%get3A_63] {strides = array<i32>} : memref<10000xi32, #tpu.memory_space<vmem>>, vector<16xi32>,
      tpu.vector_store_idx %arg5[%get3A_64], %broadcast_in_dim3A_8 {add = true} : memref<10240xf32, #tpu.memory_space<vmem>>[vector<16xi32>], vector<16xf32>,
    }
    %scan3A_14 = arith.constant 78 : i32
    %get3A = arith.constant 9984 : index
    %get3A_15 = tpu.vector_load %arg4[%get3A] {strides = array<i32>} : memref<10000xi32, #tpu.memory_space<vmem>>, vector<16xi32>,
    tpu.vector_store_idx %arg5[%get3A_15], %broadcast_in_dim3A_8 {add = true} : memref<10240xf32, #tpu.memory_space<vmem>>[vector<16xi32>], vector<16xf32>,
    "tpu.region"() ({
      %run_scoped3A_16 = tpu.sem_alloc : memref<!tpu.dma_semaphore, #tpu.memory_space<semaphore_mem>>
      %dma_start3A = arith.constant 0 : i32
      %dma_start3A_17 = tpu.memref_slice %arg3[%add3A, %dma_start3A] : memref<32x10240xf32, #tpu.memory_space<hbm>> -> memref<1x10240xf32, #tpu.memory_space<hbm>>
      %dma_start3A_18 = tpu.memref_squeeze %dma_start3A_17 : memref<1x10240xf32, #tpu.memory_space<hbm>> -> memref<10240xf32, #tpu.memory_space<hbm>>
      %dma_start3A_19 = arith.constant 0 : i32
      %dma_start3A_20 = tpu.memref_slice %arg3[%add3A, %dma_start3A_19] : memref<32x10240xf32, #tpu.memory_space<hbm>> -> memref<1x10240xf32, #tpu.memory_space<hbm>>
      %dma_start3A_21 = tpu.memref_squeeze %dma_start3A_20 : memref<1x10240xf32, #tpu.memory_space<hbm>> -> memref<10240xf32, #tpu.memory_space<hbm>>
      tpu.enqueue_dma source(%arg5 : memref<10240xf32, #tpu.memory_space<vmem>>) target(%dma_start3A_21 : memref<10240xf32, #tpu.memory_space<hbm>>) target_semaphore(%run_scoped3A_16 : memref<!tpu.dma_semaphore, #tpu.memory_space<semaphore_mem>>)
      %dma_wait3A = arith.constant 0 : i32
      %dma_wait3A_22 = tpu.memref_slice %arg3[%add3A, %dma_wait3A] : memref<32x10240xf32, #tpu.memory_space<hbm>> -> memref<1x10240xf32, #tpu.memory_space<hbm>>
      %dma_wait3A_23 = tpu.memref_squeeze %dma_wait3A_22 : memref<1x10240xf32, #tpu.memory_space<hbm>> -> memref<10240xf32, #tpu.memory_space<hbm>>
      %dma_wait3A_24 = arith.constant 0 : i32
      %dma_wait3A_25 = tpu.memref_slice %arg3[%add3A, %dma_wait3A_24] : memref<32x10240xf32, #tpu.memory_space<hbm>> -> memref<1x10240xf32, #tpu.memory_space<hbm>>
      %dma_wait3A_26 = tpu.memref_squeeze %dma_wait3A_25 : memref<1x10240xf32, #tpu.memory_space<hbm>> -> memref<10240xf32, #tpu.memory_space<hbm>>
      tpu.wait_dma2 semaphore(%run_scoped3A_16 : memref<!tpu.dma_semaphore, #tpu.memory_space<semaphore_mem>>) src(%arg5 : memref<10240xf32, #tpu.memory_space<vmem>>) dst(%dma_wait3A_26 : memref<10240xf32, #tpu.memory_space<hbm>>)
      tpu.yield
    }) : () -> ()
    return
  }
}

#map = affine_map<(d0, d1) -> (0, 0)>
#map1 = affine_map<(d0, d1) -> (0, 0, 0)>
module attributes {stable_mosaic.version = 14 : i64} {
  func.func @prop_kernel(%arg0: i32, %arg1: i32, %arg2: memref<10240x40xf32, #tpu.memory_space<hbm>>, %arg3: memref<2x320000xi32, #tpu.memory_space<hbm>>, %arg4: memref<10240x40xf32, #tpu.memory_space<hbm>>, %arg5: memref<2x10240x40xf32, #tpu.memory_space<hbm>>, %arg6: memref<10000xi32, #tpu.memory_space<vmem>>, %arg7: memref<10000xi32, #tpu.memory_space<vmem>>, %arg8: memref<2x2x200x40xf32, #tpu.memory_space<vmem>>, %arg9: memref<10240x40xf32, #tpu.memory_space<vmem_shared>>, %arg10: memref<10240x40xf32, #tpu.memory_space<vmem_shared>>, %arg11: memref<!tpu.dma_semaphore, #tpu.memory_space<semaphore_mem>>, %arg12: memref<!tpu.dma_semaphore, #tpu.memory_space<semaphore_mem>>) attributes {dimension_semantics = [#tpu.dimension_semantics<core_parallel>, #tpu.dimension_semantics<subcore_parallel>], iteration_bounds = array<i64: 2, 16>, scalar_prefetch = 0 : i64, scratch_operands = 7 : i64, tpu.core_type = #tpu.core_type<sc_vector_subcore>, window_params = [{transform_indices = #map}, {transform_indices = #map}, {transform_indices = #map}, {transform_indices = #map1}]} {
    %mul3A = arith.constant 2 : i32
    %mul3A_0 = arith.muli %arg1, %mul3A : i32
    %add3A = arith.addi %mul3A_0, %arg0 : i32
    %mul3A_1 = arith.constant 640 : i32
    %mul3A_2 = arith.muli %arg1, %mul3A_1 : i32
    %eq3A = arith.constant 0 : i32
    %eq3A_3 = arith.cmpi eq, %arg0, %eq3A : i32
    %convert_element_type3A = arith.extui %eq3A_3 : i1 to i32
    %cond3A = arith.constant 0 : i32
    %cond3A_4 = arith.cmpi ne, %convert_element_type3A, %cond3A : i32
    scf.if %cond3A_4 {
      %dma_start3A_80 = arith.constant 0 : i32
      %dma_start3A_81 = tpu.memref_slice %arg9[%mul3A_2, %dma_start3A_80] : memref<10240x40xf32, #tpu.memory_space<vmem_shared>> -> memref<640x40xf32, #tpu.memory_space<vmem_shared>>
      %dma_start3A_82 = arith.constant 0 : i32
      %dma_start3A_83 = tpu.memref_slice %arg2[%mul3A_2, %dma_start3A_82] : memref<10240x40xf32, #tpu.memory_space<hbm>> -> memref<640x40xf32, #tpu.memory_space<hbm>>
      tpu.enqueue_dma source(%dma_start3A_83 : memref<640x40xf32, #tpu.memory_space<hbm>>) target(%dma_start3A_81 : memref<640x40xf32, #tpu.memory_space<vmem_shared>>) target_semaphore(%arg11 : memref<!tpu.dma_semaphore, #tpu.memory_space<semaphore_mem>>)
    } else {
    }
    %eq3A_5 = arith.constant 1 : i32
    %eq3A_6 = arith.cmpi eq, %arg0, %eq3A_5 : i32
    %convert_element_type3A_7 = arith.extui %eq3A_6 : i1 to i32
    %cond3A_8 = arith.constant 0 : i32
    %cond3A_9 = arith.cmpi ne, %convert_element_type3A_7, %cond3A_8 : i32
    scf.if %cond3A_9 {
      %dma_start3A_80 = arith.constant 0 : i32
      %dma_start3A_81 = tpu.memref_slice %arg9[%mul3A_2, %dma_start3A_80] : memref<10240x40xf32, #tpu.memory_space<vmem_shared>> -> memref<640x40xf32, #tpu.memory_space<vmem_shared>>
      %dma_start3A_82 = arith.constant 0 : i32
      %dma_start3A_83 = tpu.memref_slice %arg4[%mul3A_2, %dma_start3A_82] : memref<10240x40xf32, #tpu.memory_space<hbm>> -> memref<640x40xf32, #tpu.memory_space<hbm>>
      tpu.enqueue_dma source(%dma_start3A_83 : memref<640x40xf32, #tpu.memory_space<hbm>>) target(%dma_start3A_81 : memref<640x40xf32, #tpu.memory_space<vmem_shared>>) target_semaphore(%arg11 : memref<!tpu.dma_semaphore, #tpu.memory_space<semaphore_mem>>)
    } else {
    }
    %mul3A_10 = arith.constant 10000 : i32
    %mul3A_11 = arith.muli %add3A, %mul3A_10 : i32
    %dma_start3A = arith.constant 0 : i32
    %dma_start3A_12 = tpu.memref_slice %arg3[%dma_start3A, %mul3A_11] : memref<2x320000xi32, #tpu.memory_space<hbm>> -> memref<1x10000xi32, #tpu.memory_space<hbm>>
    %dma_start3A_13 = tpu.memref_squeeze %dma_start3A_12 : memref<1x10000xi32, #tpu.memory_space<hbm>> -> memref<10000xi32, #tpu.memory_space<hbm>>
    %dma_start3A_14 = tpu.memref_slice %arg3[%dma_start3A, %mul3A_11] : memref<2x320000xi32, #tpu.memory_space<hbm>> -> memref<1x10000xi32, #tpu.memory_space<hbm>>
    %dma_start3A_15 = tpu.memref_squeeze %dma_start3A_14 : memref<1x10000xi32, #tpu.memory_space<hbm>> -> memref<10000xi32, #tpu.memory_space<hbm>>
    tpu.enqueue_dma source(%dma_start3A_15 : memref<10000xi32, #tpu.memory_space<hbm>>) target(%arg6 : memref<10000xi32, #tpu.memory_space<vmem>>) target_semaphore(%arg11 : memref<!tpu.dma_semaphore, #tpu.memory_space<semaphore_mem>>)
    %mul3A_16 = arith.constant 10000 : i32
    %mul3A_17 = arith.muli %add3A, %mul3A_16 : i32
    %dma_start3A_18 = arith.constant 1 : i32
    %dma_start3A_19 = tpu.memref_slice %arg3[%dma_start3A_18, %mul3A_17] : memref<2x320000xi32, #tpu.memory_space<hbm>> -> memref<1x10000xi32, #tpu.memory_space<hbm>>
    %dma_start3A_20 = tpu.memref_squeeze %dma_start3A_19 : memref<1x10000xi32, #tpu.memory_space<hbm>> -> memref<10000xi32, #tpu.memory_space<hbm>>
    %dma_start3A_21 = tpu.memref_slice %arg3[%dma_start3A_18, %mul3A_17] : memref<2x320000xi32, #tpu.memory_space<hbm>> -> memref<1x10000xi32, #tpu.memory_space<hbm>>
    %dma_start3A_22 = tpu.memref_squeeze %dma_start3A_21 : memref<1x10000xi32, #tpu.memory_space<hbm>> -> memref<10000xi32, #tpu.memory_space<hbm>>
    tpu.enqueue_dma source(%dma_start3A_22 : memref<10000xi32, #tpu.memory_space<hbm>>) target(%arg7 : memref<10000xi32, #tpu.memory_space<vmem>>) target_semaphore(%arg11 : memref<!tpu.dma_semaphore, #tpu.memory_space<semaphore_mem>>)
    %dma_start3A_23 = arith.constant 0 : i32
    %dma_start3A_24 = tpu.memref_slice %arg10[%mul3A_2, %dma_start3A_23] : memref<10240x40xf32, #tpu.memory_space<vmem_shared>> -> memref<640x40xf32, #tpu.memory_space<vmem_shared>>
    %dma_start3A_25 = arith.constant 0 : i32
    %dma_start3A_26 = tpu.memref_slice %arg2[%mul3A_2, %dma_start3A_25] : memref<10240x40xf32, #tpu.memory_space<hbm>> -> memref<640x40xf32, #tpu.memory_space<hbm>>
    tpu.enqueue_dma source(%dma_start3A_26 : memref<640x40xf32, #tpu.memory_space<hbm>>) target(%dma_start3A_24 : memref<640x40xf32, #tpu.memory_space<vmem_shared>>) target_semaphore(%arg11 : memref<!tpu.dma_semaphore, #tpu.memory_space<semaphore_mem>>)
    %dma_wait3A = arith.constant 0 : i32
    %dma_wait3A_27 = tpu.memref_slice %arg9[%mul3A_2, %dma_wait3A] : memref<10240x40xf32, #tpu.memory_space<vmem_shared>> -> memref<640x40xf32, #tpu.memory_space<vmem_shared>>
    %dma_wait3A_28 = arith.constant 0 : i32
    %dma_wait3A_29 = tpu.memref_slice %arg4[%mul3A_2, %dma_wait3A_28] : memref<10240x40xf32, #tpu.memory_space<hbm>> -> memref<640x40xf32, #tpu.memory_space<hbm>>
    tpu.wait_dma2 semaphore(%arg11 : memref<!tpu.dma_semaphore, #tpu.memory_space<semaphore_mem>>) src(%dma_wait3A_29 : memref<640x40xf32, #tpu.memory_space<hbm>>) dst(%dma_wait3A_27 : memref<640x40xf32, #tpu.memory_space<vmem_shared>>)
    %mul3A_30 = arith.constant 10000 : i32
    %mul3A_31 = arith.muli %add3A, %mul3A_30 : i32
    %dma_wait3A_32 = arith.constant 0 : i32
    %dma_wait3A_33 = tpu.memref_slice %arg3[%dma_wait3A_32, %mul3A_31] : memref<2x320000xi32, #tpu.memory_space<hbm>> -> memref<1x10000xi32, #tpu.memory_space<hbm>>
    %dma_wait3A_34 = tpu.memref_squeeze %dma_wait3A_33 : memref<1x10000xi32, #tpu.memory_space<hbm>> -> memref<10000xi32, #tpu.memory_space<hbm>>
    %dma_wait3A_35 = tpu.memref_slice %arg3[%dma_wait3A_32, %mul3A_31] : memref<2x320000xi32, #tpu.memory_space<hbm>> -> memref<1x10000xi32, #tpu.memory_space<hbm>>
    %dma_wait3A_36 = tpu.memref_squeeze %dma_wait3A_35 : memref<1x10000xi32, #tpu.memory_space<hbm>> -> memref<10000xi32, #tpu.memory_space<hbm>>
    tpu.wait_dma2 semaphore(%arg11 : memref<!tpu.dma_semaphore, #tpu.memory_space<semaphore_mem>>) src(%dma_wait3A_36 : memref<10000xi32, #tpu.memory_space<hbm>>) dst(%arg6 : memref<10000xi32, #tpu.memory_space<vmem>>)
    %mul3A_37 = arith.constant 10000 : i32
    %mul3A_38 = arith.muli %add3A, %mul3A_37 : i32
    %dma_wait3A_39 = arith.constant 1 : i32
    %dma_wait3A_40 = tpu.memref_slice %arg3[%dma_wait3A_39, %mul3A_38] : memref<2x320000xi32, #tpu.memory_space<hbm>> -> memref<1x10000xi32, #tpu.memory_space<hbm>>
    %dma_wait3A_41 = tpu.memref_squeeze %dma_wait3A_40 : memref<1x10000xi32, #tpu.memory_space<hbm>> -> memref<10000xi32, #tpu.memory_space<hbm>>
    %dma_wait3A_42 = tpu.memref_slice %arg3[%dma_wait3A_39, %mul3A_38] : memref<2x320000xi32, #tpu.memory_space<hbm>> -> memref<1x10000xi32, #tpu.memory_space<hbm>>
    %dma_wait3A_43 = tpu.memref_squeeze %dma_wait3A_42 : memref<1x10000xi32, #tpu.memory_space<hbm>> -> memref<10000xi32, #tpu.memory_space<hbm>>
    tpu.wait_dma2 semaphore(%arg11 : memref<!tpu.dma_semaphore, #tpu.memory_space<semaphore_mem>>) src(%dma_wait3A_43 : memref<10000xi32, #tpu.memory_space<hbm>>) dst(%arg7 : memref<10000xi32, #tpu.memory_space<vmem>>)
    %dma_wait3A_44 = arith.constant 0 : i32
    %dma_wait3A_45 = tpu.memref_slice %arg10[%mul3A_2, %dma_wait3A_44] : memref<10240x40xf32, #tpu.memory_space<vmem_shared>> -> memref<640x40xf32, #tpu.memory_space<vmem_shared>>
    %dma_wait3A_46 = arith.constant 0 : i32
    %dma_wait3A_47 = tpu.memref_slice %arg2[%mul3A_2, %dma_wait3A_46] : memref<10240x40xf32, #tpu.memory_space<hbm>> -> memref<640x40xf32, #tpu.memory_space<hbm>>
    tpu.wait_dma2 semaphore(%arg11 : memref<!tpu.dma_semaphore, #tpu.memory_space<semaphore_mem>>) src(%dma_wait3A_47 : memref<640x40xf32, #tpu.memory_space<hbm>>) dst(%dma_wait3A_45 : memref<640x40xf32, #tpu.memory_space<vmem_shared>>)
    %barrier3A = arith.constant 0 : index
    tpu.barrier barrier_id(%barrier3A)
    %dma_start3A_48 = arith.constant 0 : i32
    %dma_start3A_49 = arith.constant 0 : i32
    %dma_start3A_50 = arith.constant 0 : i32
    %dma_start3A_51 = arith.constant 0 : i32
    %dma_start3A_52 = tpu.memref_slice %arg8[%dma_start3A_48, %dma_start3A_49, %dma_start3A_50, %dma_start3A_51] : memref<2x2x200x40xf32, #tpu.memory_space<vmem>> -> memref<1x1x200x40xf32, #tpu.memory_space<vmem>>
    %dma_start3A_53 = tpu.memref_squeeze %dma_start3A_52 : memref<1x1x200x40xf32, #tpu.memory_space<vmem>> -> memref<200x40xf32, #tpu.memory_space<vmem>>
    %dma_start3A_54 = arith.constant 0 : i32
    %dma_start3A_55 = tpu.memref_slice %arg6[%dma_start3A_54] : memref<10000xi32, #tpu.memory_space<vmem>> -> memref<200xi32, #tpu.memory_space<vmem>>
    %dma_start3A_56 = arith.constant 0 : i32
    %dma_start3A_57 = arith.constant 0 : i32
    %dma_start3A_58 = tpu.memref_slice %arg10[%dma_start3A_56, %dma_start3A_57] : memref<10240x40xf32, #tpu.memory_space<vmem_shared>> -> memref<10240x40xf32, #tpu.memory_space<vmem_shared>>
    tpu.enqueue_indirect_dma source(%dma_start3A_58 : memref<10240x40xf32, #tpu.memory_space<vmem_shared>>) target(%dma_start3A_53 : memref<200x40xf32, #tpu.memory_space<vmem>>) offsets(%dma_start3A_55 : memref<200xi32, #tpu.memory_space<vmem>>) semaphore(%arg11 : memref<!tpu.dma_semaphore, #tpu.memory_space<semaphore_mem>>)
    %dma_start3A_59 = arith.constant 0 : i32
    %dma_start3A_60 = arith.constant 1 : i32
    %dma_start3A_61 = arith.constant 0 : i32
    %dma_start3A_62 = arith.constant 0 : i32
    %dma_start3A_63 = tpu.memref_slice %arg8[%dma_start3A_59, %dma_start3A_60, %dma_start3A_61, %dma_start3A_62] : memref<2x2x200x40xf32, #tpu.memory_space<vmem>> -> memref<1x1x200x40xf32, #tpu.memory_space<vmem>>
    %dma_start3A_64 = tpu.memref_squeeze %dma_start3A_63 : memref<1x1x200x40xf32, #tpu.memory_space<vmem>> -> memref<200x40xf32, #tpu.memory_space<vmem>>
    %dma_start3A_65 = arith.constant 200 : i32
    %dma_start3A_66 = tpu.memref_slice %arg6[%dma_start3A_65] : memref<10000xi32, #tpu.memory_space<vmem>> -> memref<200xi32, #tpu.memory_space<vmem>>
    %dma_start3A_67 = arith.constant 0 : i32
    %dma_start3A_68 = arith.constant 0 : i32
    %dma_start3A_69 = tpu.memref_slice %arg10[%dma_start3A_67, %dma_start3A_68] : memref<10240x40xf32, #tpu.memory_space<vmem_shared>> -> memref<10240x40xf32, #tpu.memory_space<vmem_shared>>
    tpu.enqueue_indirect_dma source(%dma_start3A_69 : memref<10240x40xf32, #tpu.memory_space<vmem_shared>>) target(%dma_start3A_64 : memref<200x40xf32, #tpu.memory_space<vmem>>) offsets(%dma_start3A_66 : memref<200xi32, #tpu.memory_space<vmem>>) semaphore(%arg11 : memref<!tpu.dma_semaphore, #tpu.memory_space<semaphore_mem>>)
    %scan3A = arith.constant 0 : i32
    %scan3A_70 = arith.constant 0 : i32
    %scan3A_71 = arith.constant 25 : i32
    %scan3A_72 = arith.addi %scan3A_70, %scan3A_71 : i32
    %scan3A_73 = arith.constant 1 : i32
    scf.for %scan3A_80 = %scan3A_70 to %scan3A_72 step %scan3A_73  : i32 {
      %rem3A = arith.constant 2 : i32
      %rem3A_81 = arith.remsi %scan3A_80, %rem3A : i32
      %mul3A_82 = arith.constant 2 : i32
      %mul3A_83 = arith.muli %scan3A_80, %mul3A_82 : i32
      %add3A_84 = arith.constant 0 : i32
      %add3A_85 = arith.addi %mul3A_83, %add3A_84 : i32
      %mul3A_86 = arith.constant 200 : i32
      %mul3A_87 = arith.muli %add3A_85, %mul3A_86 : i32
      %dma_wait3A_88 = arith.constant 0 : i32
      %dma_wait3A_89 = arith.constant 0 : i32
      %dma_wait3A_90 = arith.constant 0 : i32
      %dma_wait3A_91 = tpu.memref_slice %arg8[%rem3A_81, %dma_wait3A_88, %dma_wait3A_89, %dma_wait3A_90] : memref<2x2x200x40xf32, #tpu.memory_space<vmem>> -> memref<1x1x200x40xf32, #tpu.memory_space<vmem>>
      %dma_wait3A_92 = tpu.memref_squeeze %dma_wait3A_91 : memref<1x1x200x40xf32, #tpu.memory_space<vmem>> -> memref<200x40xf32, #tpu.memory_space<vmem>>
      %dma_wait3A_93 = tpu.memref_slice %arg6[%mul3A_87] : memref<10000xi32, #tpu.memory_space<vmem>> -> memref<200xi32, #tpu.memory_space<vmem>>
      %dma_wait3A_94 = arith.constant 0 : i32
      %dma_wait3A_95 = arith.constant 0 : i32
      %dma_wait3A_96 = tpu.memref_slice %arg10[%dma_wait3A_94, %dma_wait3A_95] : memref<10240x40xf32, #tpu.memory_space<vmem_shared>> -> memref<10240x40xf32, #tpu.memory_space<vmem_shared>>
      tpu.wait_indirect_dma semaphore(%arg11 : memref<!tpu.dma_semaphore, #tpu.memory_space<semaphore_mem>>) src(%dma_wait3A_96 : memref<10240x40xf32, #tpu.memory_space<vmem_shared>>) dst(%dma_wait3A_92 : memref<200x40xf32, #tpu.memory_space<vmem>>)
      %mul3A_97 = arith.constant 2 : i32
      %mul3A_98 = arith.muli %scan3A_80, %mul3A_97 : i32
      %add3A_99 = arith.constant 1 : i32
      %add3A_100 = arith.addi %mul3A_98, %add3A_99 : i32
      %mul3A_101 = arith.constant 200 : i32
      %mul3A_102 = arith.muli %add3A_100, %mul3A_101 : i32
      %dma_wait3A_103 = arith.constant 1 : i32
      %dma_wait3A_104 = arith.constant 0 : i32
      %dma_wait3A_105 = arith.constant 0 : i32
      %dma_wait3A_106 = tpu.memref_slice %arg8[%rem3A_81, %dma_wait3A_103, %dma_wait3A_104, %dma_wait3A_105] : memref<2x2x200x40xf32, #tpu.memory_space<vmem>> -> memref<1x1x200x40xf32, #tpu.memory_space<vmem>>
      %dma_wait3A_107 = tpu.memref_squeeze %dma_wait3A_106 : memref<1x1x200x40xf32, #tpu.memory_space<vmem>> -> memref<200x40xf32, #tpu.memory_space<vmem>>
      %dma_wait3A_108 = tpu.memref_slice %arg6[%mul3A_102] : memref<10000xi32, #tpu.memory_space<vmem>> -> memref<200xi32, #tpu.memory_space<vmem>>
      %dma_wait3A_109 = arith.constant 0 : i32
      %dma_wait3A_110 = arith.constant 0 : i32
      %dma_wait3A_111 = tpu.memref_slice %arg10[%dma_wait3A_109, %dma_wait3A_110] : memref<10240x40xf32, #tpu.memory_space<vmem_shared>> -> memref<10240x40xf32, #tpu.memory_space<vmem_shared>>
      tpu.wait_indirect_dma semaphore(%arg11 : memref<!tpu.dma_semaphore, #tpu.memory_space<semaphore_mem>>) src(%dma_wait3A_111 : memref<10240x40xf32, #tpu.memory_space<vmem_shared>>) dst(%dma_wait3A_107 : memref<200x40xf32, #tpu.memory_space<vmem>>)
      %lt3A = arith.constant 24 : i32
      %lt3A_112 = arith.cmpi slt, %scan3A_80, %lt3A : i32
      %convert_element_type3A_113 = arith.extui %lt3A_112 : i1 to i32
      %cond3A_114 = arith.constant 0 : i32
      %cond3A_115 = arith.cmpi ne, %convert_element_type3A_113, %cond3A_114 : i32
      scf.if %cond3A_115 {
        %add3A_176 = arith.constant 1 : i32
        %add3A_177 = arith.addi %scan3A_80, %add3A_176 : i32
        %sub3A = arith.constant 1 : i32
        %sub3A_178 = arith.subi %sub3A, %rem3A_81 : i32
        %mul3A_179 = arith.constant 2 : i32
        %mul3A_180 = arith.muli %add3A_177, %mul3A_179 : i32
        %add3A_181 = arith.constant 0 : i32
        %add3A_182 = arith.addi %mul3A_180, %add3A_181 : i32
        %mul3A_183 = arith.constant 200 : i32
        %mul3A_184 = arith.muli %add3A_182, %mul3A_183 : i32
        %dma_start3A_185 = arith.constant 0 : i32
        %dma_start3A_186 = arith.constant 0 : i32
        %dma_start3A_187 = arith.constant 0 : i32
        %dma_start3A_188 = tpu.memref_slice %arg8[%sub3A_178, %dma_start3A_185, %dma_start3A_186, %dma_start3A_187] : memref<2x2x200x40xf32, #tpu.memory_space<vmem>> -> memref<1x1x200x40xf32, #tpu.memory_space<vmem>>
        %dma_start3A_189 = tpu.memref_squeeze %dma_start3A_188 : memref<1x1x200x40xf32, #tpu.memory_space<vmem>> -> memref<200x40xf32, #tpu.memory_space<vmem>>
        %dma_start3A_190 = tpu.memref_slice %arg6[%mul3A_184] : memref<10000xi32, #tpu.memory_space<vmem>> -> memref<200xi32, #tpu.memory_space<vmem>>
        %dma_start3A_191 = arith.constant 0 : i32
        %dma_start3A_192 = arith.constant 0 : i32
        %dma_start3A_193 = tpu.memref_slice %arg10[%dma_start3A_191, %dma_start3A_192] : memref<10240x40xf32, #tpu.memory_space<vmem_shared>> -> memref<10240x40xf32, #tpu.memory_space<vmem_shared>>
        tpu.enqueue_indirect_dma source(%dma_start3A_193 : memref<10240x40xf32, #tpu.memory_space<vmem_shared>>) target(%dma_start3A_189 : memref<200x40xf32, #tpu.memory_space<vmem>>) offsets(%dma_start3A_190 : memref<200xi32, #tpu.memory_space<vmem>>) semaphore(%arg11 : memref<!tpu.dma_semaphore, #tpu.memory_space<semaphore_mem>>)
        %add3A_194 = arith.constant 1 : i32
        %add3A_195 = arith.addi %scan3A_80, %add3A_194 : i32
        %sub3A_196 = arith.constant 1 : i32
        %sub3A_197 = arith.subi %sub3A_196, %rem3A_81 : i32
        %mul3A_198 = arith.constant 2 : i32
        %mul3A_199 = arith.muli %add3A_195, %mul3A_198 : i32
        %add3A_200 = arith.constant 1 : i32
        %add3A_201 = arith.addi %mul3A_199, %add3A_200 : i32
        %mul3A_202 = arith.constant 200 : i32
        %mul3A_203 = arith.muli %add3A_201, %mul3A_202 : i32
        %dma_start3A_204 = arith.constant 1 : i32
        %dma_start3A_205 = arith.constant 0 : i32
        %dma_start3A_206 = arith.constant 0 : i32
        %dma_start3A_207 = tpu.memref_slice %arg8[%sub3A_197, %dma_start3A_204, %dma_start3A_205, %dma_start3A_206] : memref<2x2x200x40xf32, #tpu.memory_space<vmem>> -> memref<1x1x200x40xf32, #tpu.memory_space<vmem>>
        %dma_start3A_208 = tpu.memref_squeeze %dma_start3A_207 : memref<1x1x200x40xf32, #tpu.memory_space<vmem>> -> memref<200x40xf32, #tpu.memory_space<vmem>>
        %dma_start3A_209 = tpu.memref_slice %arg6[%mul3A_203] : memref<10000xi32, #tpu.memory_space<vmem>> -> memref<200xi32, #tpu.memory_space<vmem>>
        %dma_start3A_210 = arith.constant 0 : i32
        %dma_start3A_211 = arith.constant 0 : i32
        %dma_start3A_212 = tpu.memref_slice %arg10[%dma_start3A_210, %dma_start3A_211] : memref<10240x40xf32, #tpu.memory_space<vmem_shared>> -> memref<10240x40xf32, #tpu.memory_space<vmem_shared>>
        tpu.enqueue_indirect_dma source(%dma_start3A_212 : memref<10240x40xf32, #tpu.memory_space<vmem_shared>>) target(%dma_start3A_208 : memref<200x40xf32, #tpu.memory_space<vmem>>) offsets(%dma_start3A_209 : memref<200xi32, #tpu.memory_space<vmem>>) semaphore(%arg11 : memref<!tpu.dma_semaphore, #tpu.memory_space<semaphore_mem>>)
      } else {
      }
      %mul3A_116 = arith.constant 2 : i32
      %mul3A_117 = arith.muli %scan3A_80, %mul3A_116 : i32
      %add3A_118 = arith.constant 0 : i32
      %add3A_119 = arith.addi %mul3A_117, %add3A_118 : i32
      %mul3A_120 = arith.constant 200 : i32
      %mul3A_121 = arith.muli %add3A_119, %mul3A_120 : i32
      %dma_start3A_122 = arith.constant 0 : i32
      %dma_start3A_123 = arith.constant 0 : i32
      %dma_start3A_124 = arith.constant 0 : i32
      %dma_start3A_125 = tpu.memref_slice %arg8[%rem3A_81, %dma_start3A_122, %dma_start3A_123, %dma_start3A_124] : memref<2x2x200x40xf32, #tpu.memory_space<vmem>> -> memref<1x1x200x40xf32, #tpu.memory_space<vmem>>
      %dma_start3A_126 = tpu.memref_squeeze %dma_start3A_125 : memref<1x1x200x40xf32, #tpu.memory_space<vmem>> -> memref<200x40xf32, #tpu.memory_space<vmem>>
      %dma_start3A_127 = tpu.memref_slice %arg7[%mul3A_121] : memref<10000xi32, #tpu.memory_space<vmem>> -> memref<200xi32, #tpu.memory_space<vmem>>
      %dma_start3A_128 = arith.constant 0 : i32
      %dma_start3A_129 = arith.constant 0 : i32
      %dma_start3A_130 = tpu.memref_slice %arg9[%dma_start3A_128, %dma_start3A_129] : memref<10240x40xf32, #tpu.memory_space<vmem_shared>> -> memref<10240x40xf32, #tpu.memory_space<vmem_shared>>
      tpu.enqueue_indirect_dma source(%dma_start3A_126 : memref<200x40xf32, #tpu.memory_space<vmem>>) target(%dma_start3A_130 : memref<10240x40xf32, #tpu.memory_space<vmem_shared>>) offsets(%dma_start3A_127 : memref<200xi32, #tpu.memory_space<vmem>>) semaphore(%arg12 : memref<!tpu.dma_semaphore, #tpu.memory_space<semaphore_mem>>) {add = true}
      %mul3A_131 = arith.constant 2 : i32
      %mul3A_132 = arith.muli %scan3A_80, %mul3A_131 : i32
      %add3A_133 = arith.constant 1 : i32
      %add3A_134 = arith.addi %mul3A_132, %add3A_133 : i32
      %mul3A_135 = arith.constant 200 : i32
      %mul3A_136 = arith.muli %add3A_134, %mul3A_135 : i32
      %dma_start3A_137 = arith.constant 1 : i32
      %dma_start3A_138 = arith.constant 0 : i32
      %dma_start3A_139 = arith.constant 0 : i32
      %dma_start3A_140 = tpu.memref_slice %arg8[%rem3A_81, %dma_start3A_137, %dma_start3A_138, %dma_start3A_139] : memref<2x2x200x40xf32, #tpu.memory_space<vmem>> -> memref<1x1x200x40xf32, #tpu.memory_space<vmem>>
      %dma_start3A_141 = tpu.memref_squeeze %dma_start3A_140 : memref<1x1x200x40xf32, #tpu.memory_space<vmem>> -> memref<200x40xf32, #tpu.memory_space<vmem>>
      %dma_start3A_142 = tpu.memref_slice %arg7[%mul3A_136] : memref<10000xi32, #tpu.memory_space<vmem>> -> memref<200xi32, #tpu.memory_space<vmem>>
      %dma_start3A_143 = arith.constant 0 : i32
      %dma_start3A_144 = arith.constant 0 : i32
      %dma_start3A_145 = tpu.memref_slice %arg9[%dma_start3A_143, %dma_start3A_144] : memref<10240x40xf32, #tpu.memory_space<vmem_shared>> -> memref<10240x40xf32, #tpu.memory_space<vmem_shared>>
      tpu.enqueue_indirect_dma source(%dma_start3A_141 : memref<200x40xf32, #tpu.memory_space<vmem>>) target(%dma_start3A_145 : memref<10240x40xf32, #tpu.memory_space<vmem_shared>>) offsets(%dma_start3A_142 : memref<200xi32, #tpu.memory_space<vmem>>) semaphore(%arg12 : memref<!tpu.dma_semaphore, #tpu.memory_space<semaphore_mem>>) {add = true}
      %mul3A_146 = arith.constant 2 : i32
      %mul3A_147 = arith.muli %scan3A_80, %mul3A_146 : i32
      %add3A_148 = arith.constant 0 : i32
      %add3A_149 = arith.addi %mul3A_147, %add3A_148 : i32
      %mul3A_150 = arith.constant 200 : i32
      %mul3A_151 = arith.muli %add3A_149, %mul3A_150 : i32
      %dma_wait3A_152 = arith.constant 0 : i32
      %dma_wait3A_153 = arith.constant 0 : i32
      %dma_wait3A_154 = arith.constant 0 : i32
      %dma_wait3A_155 = tpu.memref_slice %arg8[%rem3A_81, %dma_wait3A_152, %dma_wait3A_153, %dma_wait3A_154] : memref<2x2x200x40xf32, #tpu.memory_space<vmem>> -> memref<1x1x200x40xf32, #tpu.memory_space<vmem>>
      %dma_wait3A_156 = tpu.memref_squeeze %dma_wait3A_155 : memref<1x1x200x40xf32, #tpu.memory_space<vmem>> -> memref<200x40xf32, #tpu.memory_space<vmem>>
      %dma_wait3A_157 = tpu.memref_slice %arg7[%mul3A_151] : memref<10000xi32, #tpu.memory_space<vmem>> -> memref<200xi32, #tpu.memory_space<vmem>>
      %dma_wait3A_158 = arith.constant 0 : i32
      %dma_wait3A_159 = arith.constant 0 : i32
      %dma_wait3A_160 = tpu.memref_slice %arg9[%dma_wait3A_158, %dma_wait3A_159] : memref<10240x40xf32, #tpu.memory_space<vmem_shared>> -> memref<10240x40xf32, #tpu.memory_space<vmem_shared>>
      tpu.wait_indirect_dma semaphore(%arg12 : memref<!tpu.dma_semaphore, #tpu.memory_space<semaphore_mem>>) src(%dma_wait3A_156 : memref<200x40xf32, #tpu.memory_space<vmem>>) dst(%dma_wait3A_160 : memref<10240x40xf32, #tpu.memory_space<vmem_shared>>)
      %mul3A_161 = arith.constant 2 : i32
      %mul3A_162 = arith.muli %scan3A_80, %mul3A_161 : i32
      %add3A_163 = arith.constant 1 : i32
      %add3A_164 = arith.addi %mul3A_162, %add3A_163 : i32
      %mul3A_165 = arith.constant 200 : i32
      %mul3A_166 = arith.muli %add3A_164, %mul3A_165 : i32
      %dma_wait3A_167 = arith.constant 1 : i32
      %dma_wait3A_168 = arith.constant 0 : i32
      %dma_wait3A_169 = arith.constant 0 : i32
      %dma_wait3A_170 = tpu.memref_slice %arg8[%rem3A_81, %dma_wait3A_167, %dma_wait3A_168, %dma_wait3A_169] : memref<2x2x200x40xf32, #tpu.memory_space<vmem>> -> memref<1x1x200x40xf32, #tpu.memory_space<vmem>>
      %dma_wait3A_171 = tpu.memref_squeeze %dma_wait3A_170 : memref<1x1x200x40xf32, #tpu.memory_space<vmem>> -> memref<200x40xf32, #tpu.memory_space<vmem>>
      %dma_wait3A_172 = tpu.memref_slice %arg7[%mul3A_166] : memref<10000xi32, #tpu.memory_space<vmem>> -> memref<200xi32, #tpu.memory_space<vmem>>
      %dma_wait3A_173 = arith.constant 0 : i32
      %dma_wait3A_174 = arith.constant 0 : i32
      %dma_wait3A_175 = tpu.memref_slice %arg9[%dma_wait3A_173, %dma_wait3A_174] : memref<10240x40xf32, #tpu.memory_space<vmem_shared>> -> memref<10240x40xf32, #tpu.memory_space<vmem_shared>>
      tpu.wait_indirect_dma semaphore(%arg12 : memref<!tpu.dma_semaphore, #tpu.memory_space<semaphore_mem>>) src(%dma_wait3A_171 : memref<200x40xf32, #tpu.memory_space<vmem>>) dst(%dma_wait3A_175 : memref<10240x40xf32, #tpu.memory_space<vmem_shared>>)
    }
    %scan3A_74 = arith.constant 25 : i32
    %barrier3A_75 = arith.constant 0 : index
    tpu.barrier barrier_id(%barrier3A_75)
    %mul3A_76 = arith.constant 640 : i32
    %mul3A_77 = arith.muli %arg1, %mul3A_76 : i32
    %mul3A_78 = arith.constant 640 : i32
    %mul3A_79 = arith.muli %arg1, %mul3A_78 : i32
    "tpu.region"() ({
      %run_scoped3A = tpu.sem_alloc : memref<!tpu.dma_semaphore, #tpu.memory_space<semaphore_mem>>
      %dma_start3A_80 = arith.constant 0 : i32
      %dma_start3A_81 = tpu.memref_slice %arg5[%arg0, %mul3A_79, %dma_start3A_80] : memref<2x10240x40xf32, #tpu.memory_space<hbm>> -> memref<1x640x40xf32, #tpu.memory_space<hbm>>
      %dma_start3A_82 = tpu.memref_squeeze %dma_start3A_81 : memref<1x640x40xf32, #tpu.memory_space<hbm>> -> memref<640x40xf32, #tpu.memory_space<hbm>>
      %dma_start3A_83 = arith.constant 0 : i32
      %dma_start3A_84 = tpu.memref_slice %arg9[%mul3A_77, %dma_start3A_83] : memref<10240x40xf32, #tpu.memory_space<vmem_shared>> -> memref<640x40xf32, #tpu.memory_space<vmem_shared>>
      tpu.enqueue_dma source(%dma_start3A_84 : memref<640x40xf32, #tpu.memory_space<vmem_shared>>) target(%dma_start3A_82 : memref<640x40xf32, #tpu.memory_space<hbm>>) target_semaphore(%run_scoped3A : memref<!tpu.dma_semaphore, #tpu.memory_space<semaphore_mem>>)
      %dma_wait3A_85 = arith.constant 0 : i32
      %dma_wait3A_86 = tpu.memref_slice %arg5[%arg0, %mul3A_79, %dma_wait3A_85] : memref<2x10240x40xf32, #tpu.memory_space<hbm>> -> memref<1x640x40xf32, #tpu.memory_space<hbm>>
      %dma_wait3A_87 = tpu.memref_squeeze %dma_wait3A_86 : memref<1x640x40xf32, #tpu.memory_space<hbm>> -> memref<640x40xf32, #tpu.memory_space<hbm>>
      %dma_wait3A_88 = arith.constant 0 : i32
      %dma_wait3A_89 = tpu.memref_slice %arg9[%mul3A_77, %dma_wait3A_88] : memref<10240x40xf32, #tpu.memory_space<vmem_shared>> -> memref<640x40xf32, #tpu.memory_space<vmem_shared>>
      tpu.wait_dma2 semaphore(%run_scoped3A : memref<!tpu.dma_semaphore, #tpu.memory_space<semaphore_mem>>) src(%dma_wait3A_89 : memref<640x40xf32, #tpu.memory_space<vmem_shared>>) dst(%dma_wait3A_87 : memref<640x40xf32, #tpu.memory_space<hbm>>)
      tpu.yield
    }) : () -> ()
    return
  }
}

module attributes {stable_mosaic.version = 14 : i64} {
  func.func @_mm_body(%arg0: i32, %arg1: memref<32x1024xf32, #tpu.memory_space<vmem>>, %arg2: memref<1024x128xf32, #tpu.memory_space<vmem>>, %arg3: memref<128x40xf32, #tpu.memory_space<vmem>>, %arg4: memref<1024x40xf32, #tpu.memory_space<vmem>>, %arg5: memref<1x1024xf32, #tpu.memory_space<vmem>>) attributes {dimension_semantics = [#tpu.dimension_semantics<arbitrary>], iteration_bounds = array<i64: 10>, scalar_prefetch = 0 : i64, scratch_operands = 0 : i64, tpu.core_type = #tpu.core_type<tc>, window_params = [{transform_indices = @transform_0, window_bounds = array<i64: 32, 1024>}, {transform_indices = @transform_1, window_bounds = array<i64: 1024, 128>}, {pipeline_mode = #tpu.pipeline_mode<synchronous>, transform_indices = @transform_2, window_bounds = array<i64: 128, 40>}, {transform_indices = @transform_3, window_bounds = array<i64: 1024, 40>}, {transform_indices = @transform_4, window_bounds = array<i64: 1, 1024>}]} {
    %get3A = arith.constant 0 : index
    %get3A_0 = arith.constant 0 : index
    %get3A_1 = vector.load %arg1[%get3A, %get3A_0] : memref<32x1024xf32, #tpu.memory_space<vmem>>, vector<32x1024xf32>
    %reduce_sum3A = arith.constant dense<0.000000e+00> : vector<1024xf32>
    %reduce_sum3A_2 = vector.multi_reduction <add>, %get3A_1, %reduce_sum3A [0] : vector<32x1024xf32> to vector<1024xf32>
    %add3A = arith.constant 1.000000e+00 : f32
    %add3A_3 = vector.broadcast %add3A : f32 to vector<1024xf32>
    %add3A_4 = arith.addf %reduce_sum3A_2, %add3A_3 : vector<1024xf32>
    %rsqrt3A = math.rsqrt %add3A_4 : vector<1024xf32>
    %get3A_5 = arith.constant 0 : index
    %get3A_6 = arith.constant 0 : index
    %get3A_7 = vector.load %arg2[%get3A_5, %get3A_6] : memref<1024x128xf32, #tpu.memory_space<vmem>>, vector<1024x128xf32>
    %get3A_8 = arith.constant 0 : index
    %get3A_9 = arith.constant 0 : index
    %get3A_10 = vector.load %arg3[%get3A_8, %get3A_9] : memref<128x40xf32, #tpu.memory_space<vmem>>, vector<128x40xf32>
    %dot_general3A = arith.constant dense<0.000000e+00> : vector<1024x40xf32>
    %dot_general3A_11 = tpu.matmul %get3A_7, %get3A_10, %dot_general3A {dimension_numbers = #tpu.dot_dimension_numbers<[1], [0], [0], [1], [0, 0, 1, 1], [], []>, transpose_lhs_hint = false} : vector<1024x128xf32>, vector<128x40xf32>, vector<1024x40xf32> -> vector<1024x40xf32>
    %broadcast_in_dim3A = vector.shape_cast %rsqrt3A : vector<1024xf32> to vector<1024x1xf32>
    %mul3A = vector.broadcast %broadcast_in_dim3A : vector<1024x1xf32> to vector<1024x40xf32>
    %mul3A_12 = arith.mulf %dot_general3A_11, %mul3A : vector<1024x40xf32>
    %swap3A = arith.constant 0 : index
    %swap3A_13 = arith.constant 0 : index
    %swap3A_14 = vector.load %arg4[%swap3A, %swap3A_13] : memref<1024x40xf32, #tpu.memory_space<vmem>>, vector<1024x40xf32>
    tpu.vector_store %arg4[%swap3A, %swap3A_13], %mul3A_12 {strides = array<i32>} : memref<1024x40xf32, #tpu.memory_space<vmem>>, vector<1024x40xf32>,
    %broadcast_in_dim3A_15 = vector.shape_cast %rsqrt3A : vector<1024xf32> to vector<1x1024xf32>
    %swap3A_16 = arith.constant 0 : index
    %swap3A_17 = arith.constant 0 : index
    %swap3A_18 = vector.load %arg5[%swap3A_16, %swap3A_17] : memref<1x1024xf32, #tpu.memory_space<vmem>>, vector<1x1024xf32>
    tpu.vector_store %arg5[%swap3A_16, %swap3A_17], %broadcast_in_dim3A_15 {strides = array<i32>} : memref<1x1024xf32, #tpu.memory_space<vmem>>, vector<1x1024xf32>,
    return
  }
  func.func @transform_0(%arg0: i32) -> (i32, i32) {
    %c0_i32 = arith.constant 0 : i32
    %c0_i32_0 = arith.constant 0 : i32
    return %c0_i32, %arg0 : i32, i32
  }
  func.func @transform_1(%arg0: i32) -> (i32, i32) {
    %c0_i32 = arith.constant 0 : i32
    %c0_i32_0 = arith.constant 0 : i32
    return %arg0, %c0_i32 : i32, i32
  }
  func.func @transform_2(%arg0: i32) -> (i32, i32) {
    %c0_i32 = arith.constant 0 : i32
    %c0_i32_0 = arith.constant 0 : i32
    %c0_i32_1 = arith.constant 0 : i32
    return %c0_i32, %c0_i32_0 : i32, i32
  }
  func.func @transform_3(%arg0: i32) -> (i32, i32) {
    %c0_i32 = arith.constant 0 : i32
    %c0_i32_0 = arith.constant 0 : i32
    return %arg0, %c0_i32 : i32, i32
  }
  func.func @transform_4(%arg0: i32) -> (i32, i32) {
    %c0_i32 = arith.constant 0 : i32
    %c0_i32_0 = arith.constant 0 : i32
    return %c0_i32, %arg0 : i32, i32
  }
}

module attributes {stable_mosaic.version = 14 : i64} {
  func.func @_fin_body(%arg0: i32, %arg1: memref<2x1024x40xf32, #tpu.memory_space<vmem>>, %arg2: memref<1x1024xf32, #tpu.memory_space<vmem>>, %arg3: memref<1x40xf32, #tpu.memory_space<vmem>>, %arg4: memref<1024x40xf32, #tpu.memory_space<vmem>>) attributes {dimension_semantics = [#tpu.dimension_semantics<arbitrary>], iteration_bounds = array<i64: 10>, scalar_prefetch = 0 : i64, scratch_operands = 0 : i64, tpu.core_type = #tpu.core_type<tc>, window_params = [{transform_indices = @transform_0, window_bounds = array<i64: 2, 1024, 40>}, {transform_indices = @transform_1, window_bounds = array<i64: 1, 1024>}, {pipeline_mode = #tpu.pipeline_mode<synchronous>, transform_indices = @transform_2, window_bounds = array<i64: 1, 40>}, {transform_indices = @transform_3, window_bounds = array<i64: 1024, 40>}]} {
    %get3A = arith.constant 0 : index
    %get3A_0 = arith.constant 0 : index
    %get3A_1 = arith.constant 0 : index
    %get3A_2 = vector.load %arg1[%get3A, %get3A_0, %get3A_1] : memref<2x1024x40xf32, #tpu.memory_space<vmem>>, vector<1x1024x40xf32>
    %get3A_3 = vector.shape_cast %get3A_2 : vector<1x1024x40xf32> to vector<1024x40xf32>
    %get3A_4 = arith.constant 1 : index
    %get3A_5 = arith.constant 0 : index
    %get3A_6 = arith.constant 0 : index
    %get3A_7 = vector.load %arg1[%get3A_4, %get3A_5, %get3A_6] : memref<2x1024x40xf32, #tpu.memory_space<vmem>>, vector<1x1024x40xf32>
    %get3A_8 = vector.shape_cast %get3A_7 : vector<1x1024x40xf32> to vector<1024x40xf32>
    %add3A = arith.addf %get3A_3, %get3A_8 : vector<1024x40xf32>
    %get3A_9 = arith.constant 0 : index
    %get3A_10 = arith.constant 0 : index
    %get3A_11 = vector.load %arg2[%get3A_9, %get3A_10] : memref<1x1024xf32, #tpu.memory_space<vmem>>, vector<1x1024xf32>
    %get3A_12 = vector.shape_cast %get3A_11 : vector<1x1024xf32> to vector<1024xf32>
    %broadcast_in_dim3A = vector.shape_cast %get3A_12 : vector<1024xf32> to vector<1024x1xf32>
    %mul3A = vector.broadcast %broadcast_in_dim3A : vector<1024x1xf32> to vector<1024x40xf32>
    %mul3A_13 = arith.mulf %add3A, %mul3A : vector<1024x40xf32>
    %get3A_14 = arith.constant 0 : index
    %get3A_15 = arith.constant 0 : index
    %get3A_16 = vector.load %arg3[%get3A_14, %get3A_15] : memref<1x40xf32, #tpu.memory_space<vmem>>, vector<1x40xf32>
    %add3A_17 = vector.broadcast %get3A_16 : vector<1x40xf32> to vector<1024x40xf32>
    %add3A_18 = arith.addf %mul3A_13, %add3A_17 : vector<1024x40xf32>
    %swap3A = arith.constant 0 : index
    %swap3A_19 = arith.constant 0 : index
    %swap3A_20 = vector.load %arg4[%swap3A, %swap3A_19] : memref<1024x40xf32, #tpu.memory_space<vmem>>, vector<1024x40xf32>
    tpu.vector_store %arg4[%swap3A, %swap3A_19], %add3A_18 {strides = array<i32>} : memref<1024x40xf32, #tpu.memory_space<vmem>>, vector<1024x40xf32>,
    return
  }
  func.func @transform_0(%arg0: i32) -> (i32, i32, i32) {
    %c0_i32 = arith.constant 0 : i32
    %c0_i32_0 = arith.constant 0 : i32
    %c0_i32_1 = arith.constant 0 : i32
    return %c0_i32, %arg0, %c0_i32_0 : i32, i32, i32
  }
  func.func @transform_1(%arg0: i32) -> (i32, i32) {
    %c0_i32 = arith.constant 0 : i32
    %c0_i32_0 = arith.constant 0 : i32
    return %c0_i32, %arg0 : i32, i32
  }
  func.func @transform_2(%arg0: i32) -> (i32, i32) {
    %c0_i32 = arith.constant 0 : i32
    %c0_i32_0 = arith.constant 0 : i32
    %c0_i32_1 = arith.constant 0 : i32
    return %c0_i32, %c0_i32_0 : i32, i32
  }
  func.func @transform_3(%arg0: i32) -> (i32, i32) {
    %c0_i32 = arith.constant 0 : i32
    %c0_i32_0 = arith.constant 0 : i32
    return %arg0, %c0_i32 : i32, i32
  }
}

</mosaic_0001>

<sc_bundles>
// kernel: kernel.6.cloned.1.call-start
scs
__scs_entry_jumppad:
0x0: {  	(pc) =	sbr.rel $0x88, $3  }
0x1: {  	(tag) =	ssettag $0x0;
	lr =	simm.s32 $0x1  }
0x2: {  	[smem:$0x3F9D] =	sst lr;
	_ =	strace $0xD0000000  }
0x3: {  	_ = 	snop  }
0x4: {  	_ = 	snop  }
0x5: {  	_ = 	snop  }
0x6: {  	_ = 	snop  }
0x7: {  	_ = 	snop  }
__scs_overlays_trampoline_lowered:
0x8: {  	[smem:$0x3FAC] =	sst s0  }
0x9: {  	[smem:$0x3FAD] =	sst s1  }
0xa: {  	[smem:$0x3FAE] =	sst s2  }
0xb: {  	[smem:$0x3FAF] =	sst s3  }
0xc: {  	[smem:$0x3FB0] =	sst s4  }
0xd: {  	[smem:$0x3FB1] =	sst s5  }
0xe: {  	[smem:$0x3FB2] =	sst s6  }
0xf: {  	[smem:$0x3FB3] =	sst s7  }
0x10: {  	[smem:$0x3FB4] =	sst s8  }
0x11: {  	[smem:$0x3FB5] =	sst s9;
	s0 =	simm.s32 @!p0 $0x0  }
0x12: {  	s1 =	sld [smem:$0x3F9B];
	s0 =	simm.s32 @p0 $0x1  }
0x13: {  	[smem:$0x3FB6] =	sst s0;
	s0 =	simm.s32 @!p1 $0x0  }
0x14: {  	s2 =	sld [smem:$0x3F9A];
	s0 =	simm.s32 @p1 $0x1  }
0x15: {  	[smem:$0x3FB7] =	sst s0;
	s0 =	simm.s32 @!p2 $0x0  }
0x16: {  	s3 =	sld [smem:$0x3FDB];
	s0 =	simm.s32 @p2 $0x1  }
0x17: {  	s4 =	simm.s32 $0x1BF5;
	[smem:$0x3FB9] =	sst s0  }
0x18: {  	s0 =	sld [smem:$0x3F9C];
	_ =	swait.ge [sflag:s4], $0x0  }
0x19: {  	s7 =	sld [smem:$0x3F9D]  }
0x1a: {  	s8 =	sadd.s32 $0xFFFFE003, lr  }
0x1b: {  	s9 =	sadd.s32 $0xFFFFFEF7, lr;
	s5 =	simm.s32 $0xFFFFFFFF;
	p2 =	slt.u32 s8, $0xFFFFF086  }
0x1c: {  	p1 =	slt.u32 s9, $0xF7A;
	s5 =	simm.s32 @!p2 $0x0  }
0x1d: {  	s5 =	simm.s32 @p1 $0x1;
	p0 =	seq.s32 s7, s2  }
0x1e: {  	s7 =	smul.u32 @!p0 $0xF7A, s2;
	p2 =	seq.s32 @!p0 s5, $0x0  }
0x1f: {  	s9 =	smul.u32 $0xF7A, s1;
	s8 =	simm.s32 @!p0 $0x1BF5;
	p2 =	por !p2, p0  }
0x20: {  	[sflag:s8] =	ssyncset.s32 @!p0 $0xFFFFF086;
	s6 =	sadd.s32 @!p0 s3, s7;
	s7 =	simm.s32 @!p0 $0x108  }
0x21: {  	s3 =	sadd.s32 s3, s9;
	s6 =	sadd.s32 @!p0 $0x88, s6;
	s7 =	simm.s32 @p2 $0x1082  }
0x22: {  	[simem:s7], [sflag:s8] =	dma.local @!p0 [hbm:s6], $0xF7A  }
0x23: {  	s9 =	sor.u32 $0xD0000000, s2;
	s6 =	simm.s32 $0x108;
	_ =	swait.ge @!p0 [sflag:s8], $0x0  }
0x24: {  	s3 =	sadd.s32 $0x88, s3;
	s6 =	simm.s32 @!p1 $0x1082;
	[sflag:s4] =	ssyncset.s32 $0xFFFFF086  }
0x25: {  	[simem:s6], [sflag:s4] =	dma.local [hbm:s3], $0xF7A  }
0x26: {  	[smem:$0x3F9D] =	sst s1;
	(tag) =	ssettag s2;
	_ =	strace s9  }
0x27: {  	s1 =	sld [smem:$0x3FAD]  }
0x28: {  	s2 =	sld [smem:$0x3FAE]  }
0x29: {  	s4 =	sld [smem:$0x3FB0]  }
0x2a: {  	p0 =	seq.s32 s5, $0x0;
	s5 =	sld [smem:$0x3FB1]  }
0x2b: {  	s6 =	sld [smem:$0x3FB2]  }
0x2c: {  	s7 =	sld [smem:$0x3FB3]  }
0x2d: {  	s3 =	simm.s32 $0x108;
	s8 =	sld [smem:$0x3FB4]  }
0x2e: {  	s3 =	simm.s32 @!p0 $0x1082;
	s9 =	sld [smem:$0x3FB5]  }
0x2f: {  	lr =	sadd.s32 s0, s3;
	s0 =	sld [smem:$0x3FAC]  }
0x30: {  	s3 =	sld [smem:$0x3FAF]  }
0x31: {  	[smem:$0x3FB8] =	sst s10  }
0x32: {  	s10 =	sld [smem:$0x3FB6];
	_ =	sdelay $0x3  }
0x33: {  	p0 =	seq.s32 s10, $0x1;
	s10 =	sld [smem:$0x3FB8];
	_ =	sdelay $0x3  }
0x34: {  	[smem:$0x3FB8] =	sst s10  }
0x35: {  	s10 =	sld [smem:$0x3FB7];
	_ =	sdelay $0x3  }
0x36: {  	p1 =	seq.s32 s10, $0x1;
	s10 =	sld [smem:$0x3FB8];
	_ =	sdelay $0x3  }
0x37: {  	[smem:$0x3FB8] =	sst s10  }
0x38: {  	s10 =	sld [smem:$0x3FB9]  }
0x39: {  	_ = 	snop;
	(pc) =	sbr.ind lr, $3  }
0x3a: {  	_ = 	snop  }
0x3b: {  	_ = 	snop  }
0x3c: {  	p2 =	seq.s32 s10, $0x1;
	s10 =	sld [smem:$0x3FB8]  }
0x3d: {  	_ =	shalt  }
0x3e: {  	_ =	shalt  }
0x3f: {  	_ =	shalt  }
0x40: {  	_ =	shalt  }
0x41: {  	_ =	shalt  }
0x42: {  	_ =	shalt  }
0x43: {  	_ =	shalt  }
0x44: {  	_ =	shalt  }
0x45: {  	_ =	shalt  }
0x46: {  	_ =	shalt  }
0x47: {  	_ =	shalt  }
0x48: {  	_ =	shalt  }
0x49: {  	_ =	shalt  }
0x4a: {  	_ =	shalt  }
0x4b: {  	_ =	shalt  }
0x4c: {  	_ =	shalt  }
0x4d: {  	_ =	shalt  }
0x4e: {  	_ =	shalt  }
0x4f: {  	_ =	shalt  }
0x50: {  	_ =	shalt  }
0x51: {  	_ =	shalt  }
0x52: {  	_ =	shalt  }
0x53: {  	_ =	shalt  }
0x54: {  	_ =	shalt  }
0x55: {  	_ =	shalt  }
0x56: {  	_ =	shalt  }
0x57: {  	_ =	shalt  }
0x58: {  	_ =	shalt  }
0x59: {  	_ =	shalt  }
0x5a: {  	_ =	shalt  }
0x5b: {  	_ =	shalt  }
0x5c: {  	_ =	shalt  }
0x5d: {  	_ =	shalt  }
0x5e: {  	_ =	shalt  }
0x5f: {  	_ =	shalt  }
0x60: {  	_ =	shalt  }
0x61: {  	_ =	shalt  }
0x62: {  	_ =	shalt  }
0x63: {  	_ =	shalt  }
0x64: {  	_ =	shalt  }
0x65: {  	_ =	shalt  }
0x66: {  	_ =	shalt  }
0x67: {  	_ =	shalt  }
0x68: {  	_ =	shalt  }
0x69: {  	_ =	shalt  }
0x6a: {  	_ =	shalt  }
0x6b: {  	_ =	shalt  }
0x6c: {  	_ =	shalt  }
0x6d: {  	_ =	shalt  }
0x6e: {  	_ =	shalt  }
0x6f: {  	_ =	shalt  }
0x70: {  	_ =	shalt  }
0x71: {  	_ =	shalt  }
0x72: {  	_ =	shalt  }
0x73: {  	_ =	shalt  }
0x74: {  	_ =	shalt  }
0x75: {  	_ =	shalt  }
0x76: {  	_ =	shalt  }
0x77: {  	_ =	shalt  }
0x78: {  	_ =	shalt  }
0x79: {  	_ =	shalt  }
0x7a: {  	_ =	shalt  }
0x7b: {  	_ =	shalt  }
0x7c: {  	_ =	shalt  }
0x7d: {  	_ =	shalt  }
0x7e: {  	_ =	shalt  }
0x7f: {  	_ =	shalt  }
0x80: {  	_ =	shalt  }
0x81: {  	_ =	shalt  }
0x82: {  	_ =	shalt  }
0x83: {  	_ =	shalt  }
0x84: {  	_ =	shalt  }
0x85: {  	_ =	shalt  }
0x86: {  	_ =	shalt  }
0x87: {  	_ =	shalt  }
.Lfunc_end0:
.L_simem_size_0:
called_computation_lowered:
.L_overlay_start_0:
0x88: {  	s2 =	sld [smem:$0x3FD9]  }
0x89: {  	s3 =	sld [smem:$0x3FFE];
	_ =	sdelay $0x1  }
0x8a: {  	s1 =	srdreg.scid  }
0x8b: {  	s0 =	sand.u32 $0x1, s1  }
0x8c: {  	s17 =	sshll.u32 s0, $0xA;
	s2 =	sadd.s32 s3, s2  }
0x8d: {  	s2 =	sadd.s32 s2, s17  }
0x8e: {  	[smem:$0x3FC4] =	sst s2  }
0x8f: {  	_ = 	snop  }
0x90: {  	s2 =	sld [smem:$0x3FD0];
	(tm) =	ssettm $0x1  }
0x91: {  	s18 =	sld [smem:$0x3FFB];
	_ =	sdelay $0x3  }
0x92: {  	_ =	strace s18  }
0x93: {  	s3 =	sld [smem:$0x3FFC];
	_ =	sdelay $0x3  }
0x94: {  	_ =	strace s3  }
0x95: {  	s3 =	sld [smem:$0x3FFD];
	_ =	sdelay $0x3  }
0x96: {  	_ =	strace s3  }
0x97: {  	_ =	strace $0x8FFFFFFF  }
0x98: {  	s19 =	sld [smem:$0x3FDB];
	_ =	sdelay $0x1  }
0x99: {  	s4 =	simm.s32 $_scs_section_size  }
0x9a: {  	s5 =	simm.s32 $_size__tile_overlayer_lowered;
	s6 =	simm.s32 $_tile_overlayer_lowered  }
0x9b: {  	s22 =	simm.s32 $0x1BFF;
	s21 =	sshll.u32 s6, $0x1;
	s3 =	sadd.s32 s4, s19  }
0x9c: {  	s7 =	simm.s32 $0x0;
	s20 =	sshll.u32 s5, $0x1;
	s5 =	sadd.s32 s21, s3  }
0x9d: {  	[timem:s7], [sflag:s22] =	dma.local [hbm:s5], s20  }
0x9e: {  	_ =	swait.ge [sflag:s22], s20  }
0x9f: {  	s4 =	ssub.s32 $0x0, s20;
	[sflag:s22] =	ssyncset.done $0x0  }
0xa0: {  	[sflag:s22] =	ssyncadd.s32 s4;
	_ =	sdelay $0x1  }
0xa1: {  	s23 =	simm.s32 $0x1B8B  }
0xa2: {  	_ =	swait.ge [sflag:s23], $0x1  }
0xa3: {  	[sflag:s23] =	ssyncset.done $0x0  }
0xa4: {  	s25 =	simm.s32 $0x1B8E;
	s24 =	sld [smem:$0x3FFE];
	[sflag:s23] =	ssyncadd.s32 $0xFFFFFFFF  }
0xa5: {  	s26 =	simm.s32 $execute0_lowered;
	[smem:$0x3FD2] =	sst s25  }
0xa6: {  	s5 =	sshll.u32 s26, $0x1;
	_ =	strace $0x80000046;
	[dreg:$0x1] =	wrdreg $0xFFFFFFFF  }
0xa7: {  	s28 =	simm.s32 $_size_execute0_lowered;
	s3 =	sadd.s32 s3, s5;
	[dreg:$0x0] =	wrdreg $0x0  }
0xa8: {  	s5 =	sshll.u32 s28, $0x1;
	[dreg:$0x2] =	wrdreg s3  }
0xa9: {  	[dreg:$0x3] =	wrdreg s5  }
0xaa: {  	[dreg:$0x4] =	wrdreg $0xC0  }
0xab: {  	_ =	task [dreg:s7], $0x5FFFF  }
0xac: {  	[dreg:$0x1] =	wrdreg $0xFFFFFFFF  }
0xad: {  	[dreg:$0x0] =	wrdreg $0x60  }
0xae: {  	[dreg:$0x2] =	wrdreg s24  }
0xaf: {  	[dreg:$0x3] =	wrdreg s2  }
0xb0: {  	[dreg:$0x4] =	wrdreg $0x9  }
0xb1: {  	_ =	task.clear_ibuf [dreg:s7], $0x5FFFF;
	_ =	strace $0x90000046  }
0xb2: {  	s29 =	simm.s32 $0x9;
	_ =	strace $0x80000048  }
0xb3: {  	_ =	swait.ge [sflag:s29], $0x1  }
0xb4: {  	[sflag:s29] =	ssyncadd.s32 $0xFFFFFFFF  }
0xb5: {  	_ =	strace $0x90000048  }
0xb6: {  	_ =	sfence  }
0xb7: {  	s30 =	sld [smem:$0x0];
	_ =	sdelay $0x2  }
0xb8: {  	s31 =	sshll.u32 s1, $0xD;
	s1 =	sshrl.u32 s1, $0x2  }
0xb9: {  	s3 =	sand.u32 $0x4000, s31;
	s1 =	sadd.s32 s1, s30  }
0xba: {  	s0 =	sor.u32 s3, s0;
	s1 =	sshll.u32 s1, $0x11  }
0xbb: {  	s0 =	sor.u32 s1, s0  }
0xbc: {  	s0 =	sadd.s32 $0x8F2B, s0  }
0xbd: {  	[sflag:s0] =	ssyncadd.remote.s32 $0x1  }
0xbe: {  	_ =	sfence.sel $0xFFFF  }
0xbf: {  	[dreg:$0x0] =	wrdreg $0xFFFFFFFF;
	(pc) =	sbr.abs _section_cstart, $3  }
0xc0: {  	[dreg:$0x1] =	wrdreg $0xFFFFFFFF  }
0xc1: {  	_ =	task.clear_ibuf [dreg:s7], $0x2FFFF;
	_ =	strace $0x9FFFFFFF  }
0xc2: {  	(tm) =	ssettm $0x7FFFFFFF  }
0xc3: {  	_ =	shalt  }
tec
execute0_lowered:
.L_overlay_start_1:
0x0: {  	(tag) =	ssettag $0x1  }
0x1: {  	s1 =	srdreg.scid;
	s0 =	stileid.u32  }
0x2: {  	s4 =	sand.u32 $0x1, s1;
	s31 =	sshll.u32 s0, $0x1  }
0x3: {  	s3 =	rddreg [dreg:$0x0];
	s6 =	sor.u32 s4, s31  }
0x4: {  	s5 =	rddreg [dreg:$0x1];
	s2 =	simm.s32 $0x0;
	s7 =	smul.u32 $0x2710, s6  }
0x5: {  	[smem:$0x7FF] =	sst s2;
	s4 =	ssub.s32 $0x2, s4;
	s6 =	smul.u32 $0x500, s6  }
0x6: {  	s1 =	rddreg [dreg:$0x2];
	_ =	strace $0x80000047;
	s8 =	sshrl.u32 s4, $0x1  }
0x7: {  	s8 =	ssub.s32 s4, s8;
	s7 =	sshrl.u32 s7, $0x3;
	s4 =	sadd.s32 s5, s6  }
0x8: {  	s5 =	smax.u32 s8, $0x1;
	s6 =	simm.s32 $0x1;
	s3 =	sadd.s32 s3, s7  }
0x9: {  	v0 =	vimm.f32 $0.0e+00;
	v1 =	vimm.f32 $1.000000000e+00;
	s8 =	simm.s32 $0x0;
	s7 =	simm.s32 $0x2710;
	s3 =	sadd.s32 $0xB240, s3  }
.LBB2_1:
0xa: {  	s9 =	simm.s32 $0x0;
	s10 =	simm.s32 $0x200  }
.LBB2_2:
0xb: {  	p0 =	sne.s32 s10, $0x9E00;
	[tilespmem:s9+$0x2780] =	vst v0  }
0xc: {  	[tilespmem:s9+$0x2710] =	vst v0  }
0xd: {  	[tilespmem:s9+$0x2720] =	vst v0  }
.Ltmp0:
0xe: {  	[tilespmem:s9+$0x2730] =	vst v0;
	(pc) =	sbr.rel @p0 .LBB2_2-.Ltmp0, $4  }
0xf: {  	[tilespmem:s9+$0x2740] =	vst v0  }
0x10: {  	[tilespmem:s9+$0x2750] =	vst v0  }
0x11: {  	[tilespmem:s9+$0x2760] =	vst v0  }
0x12: {  	[tilespmem:s9+$0x2770] =	vst v0;
	s9 =	sshra.s32 s10, $0x2;
	s10 =	sadd.s32 $0x200, s10  }
0x13: {  	[tilespmem:s9+$0x2780] =	vst v0  }
0x14: {  	[tilespmem:s9+$0x2710] =	vst v0  }
0x15: {  	[tilespmem:s9+$0x2720] =	vst v0  }
0x16: {  	[tilespmem:s9+$0x2730] =	vst v0  }
0x17: {  	[tilespmem:s9+$0x2740] =	vst v0  }
0x18: {  	[tilespmem:s9+$0x2750] =	vst v0  }
0x19: {  	[tilespmem:s9+$0x2760] =	vst v0  }
0x1a: {  	[tilespmem:s9+$0x2770] =	vst v0;
	s9 =	simm.s32 $0x0  }
0x1b: {  	[tilespmem:s9], [sflag:$0x1] =	stream.linear.gather [hbm4b:s3+s9], $0x2710, $0x38;
	[tilespmem:$0x4F10] =	vst v63  }
0x1c: {  	_ =	swait.ge [sflag:s6], $0x2710  }
0x1d: {  	[sflag:s6] =	ssyncset.done $0x0  }
0x1e: {  	[sflag:s6] =	ssyncadd.s32 $0xFFFFD8F0  }
.LBB2_4:
0x1f: {  	s10 =	sshra.s32 s9, $0x2  }
0x20: {  	v2 =	vld [tilespmem:s10+$0x0];
	_ =	sdelay $0x7  }
0x21: {  	[tilespmem:v2+s7+$0x0] =	vst.idx.add.f32.msk $0xffff, v1  }
0x22: {  	v2 =	vld [tilespmem:s10+$0x10];
	_ =	sdelay $0x7  }
0x23: {  	[tilespmem:v2+s7+$0x0] =	vst.idx.add.f32.msk $0xffff, v1  }
0x24: {  	v2 =	vld [tilespmem:s10+$0x20];
	_ =	sdelay $0x7  }
0x25: {  	[tilespmem:v2+s7+$0x0] =	vst.idx.add.f32.msk $0xffff, v1  }
0x26: {  	v2 =	vld [tilespmem:s10+$0x30];
	_ =	sdelay $0x7  }
0x27: {  	[tilespmem:v2+s7+$0x0] =	vst.idx.add.f32.msk $0xffff, v1  }
0x28: {  	v2 =	vld [tilespmem:s10+$0x40];
	_ =	sdelay $0x7  }
0x29: {  	[tilespmem:v2+s7+$0x0] =	vst.idx.add.f32.msk $0xffff, v1  }
0x2a: {  	v2 =	vld [tilespmem:s10+$0x50];
	_ =	sdelay $0x7  }
0x2b: {  	[tilespmem:v2+s7+$0x0] =	vst.idx.add.f32.msk $0xffff, v1  }
0x2c: {  	v2 =	vld [tilespmem:s10+$0x60];
	_ =	sdelay $0x7  }
0x2d: {  	[tilespmem:v2+s7+$0x0] =	vst.idx.add.f32.msk $0xffff, v1  }
0x2e: {  	v2 =	vld [tilespmem:s10+$0x70];
	_ =	sdelay $0x2  }
0x2f: {  	p0 =	sne.s32 s9, $0x9A00  }
.Ltmp1:
0x30: {  	_ = 	snop;
	(pc) =	sbr.rel @p0 .LBB2_4-.Ltmp1, $2  }
0x31: {  	_ =	sdelay $0x2  }
0x32: {  	s9 =	sadd.s32 $0x200, s9;
	[tilespmem:v2+s7+$0x0] =	vst.idx.add.f32.msk $0xffff, v1  }
0x33: {  	v2 =	vld [tilespmem:$0x2700];
	_ =	sdelay $0x5  }
0x34: {  	s8 =	sadd.s32 $0x1, s8  }
0x35: {  	p0 =	sne.s32 s8, s5  }
.Ltmp2:
0x36: {  	[tilespmem:v2+s7+$0x0] =	vst.idx.add.f32.msk $0xffff, v1;
	(pc) =	sbr.rel @p0 .LBB2_1-.Ltmp2, $4  }
0x37: {  	[hbm4b:s4+s2] =	stream.linear.scatter [tilespmem:s7], [sflag:$0x1], $0x2800, $0x38;
	[tilespmem:$0x4F10] =	vst v63  }
0x38: {  	_ =	swait.ge [sflag:s6], $0x2800  }
0x39: {  	[sflag:s6] =	ssyncset.done $0x0  }
0x3a: {  	[sflag:s6] =	ssyncadd.s32 $0xFFFFD800  }
0x3b: {  	_ =	sfence.sel $0x180000  }
0x3c: {  	[bflag:$0x0] =	sbarrier.arrive $0xFFFF  }
0x3d: {  	p0 =	sne.s32 s0, $0x0;
	_ =	strace $0x90000047  }
0x3e: {  	s0 =	sadd.s32 @!p0 $0x100000, s1;
	[bflag:$0x2] =	sbarrier.arrive $0xFFFF  }
0x3f: {  	[sflag:s0] =	ssyncadd.tile.s32 @!p0 $0x1;
	_ =	shalt  }
.Lfunc_end2:
_tile_overlayer_lowered:
.L_overlay_start_2:
0x40: {  	(tag) =	ssettag $0x2  }
0x41: {  	s0 =	rddreg [dreg:$0x0];
	s2 =	stileid.u32  }
0x42: {  	s1 =	rddreg [dreg:$0x1];
	p0 =	sne.s32 s2, $0x0  }
0x43: {  	s3 =	rddreg [dreg:$0x2];
	[bflag:$0x3] =	sbarrier.arrive $0xFFFF;
	s2 =	simm.s32 @!p0 $0x1C01  }
0x44: {  	[timem:s3], [sflag:s2] =	dma.local @!p0 [hbm:s0], s1  }
0x45: {  	s0 =	simm.s32 @!p0 $0x1  }
0x46: {  	_ =	swait.ge @!p0 [sflag:s0], s1  }
0x47: {  	s1 =	ssub.s32 @!p0 $0x0, s1;
	[sflag:s0] =	ssyncset.done @!p0 $0x0  }
0x48: {  	[sflag:s0] =	ssyncadd.s32 @!p0 s1  }
0x49: {  	[bflag:$0x3] =	sbarrier.arrive $0xFFFF  }
0x4a: {  	_ =	shalt  }

// kernel: kernel.9.cloned.1.call-start
scs
__scs_entry_jumppad:
0x0: {  	(pc) =	sbr.rel $0x88, $3  }
0x1: {  	(tag) =	ssettag $0x0;
	lr =	simm.s32 $0x1  }
0x2: {  	[smem:$0x3F9D] =	sst lr;
	_ =	strace $0xD0000000  }
0x3: {  	_ = 	snop  }
0x4: {  	_ = 	snop  }
0x5: {  	_ = 	snop  }
0x6: {  	_ = 	snop  }
0x7: {  	_ = 	snop  }
__scs_overlays_trampoline_lowered:
0x8: {  	[smem:$0x3FAC] =	sst s0  }
0x9: {  	[smem:$0x3FAD] =	sst s1  }
0xa: {  	[smem:$0x3FAE] =	sst s2  }
0xb: {  	[smem:$0x3FAF] =	sst s3  }
0xc: {  	[smem:$0x3FB0] =	sst s4  }
0xd: {  	[smem:$0x3FB1] =	sst s5  }
0xe: {  	[smem:$0x3FB2] =	sst s6  }
0xf: {  	[smem:$0x3FB3] =	sst s7  }
0x10: {  	[smem:$0x3FB4] =	sst s8  }
0x11: {  	[smem:$0x3FB5] =	sst s9;
	s0 =	simm.s32 @!p0 $0x0  }
0x12: {  	s1 =	sld [smem:$0x3F9B];
	s0 =	simm.s32 @p0 $0x1  }
0x13: {  	[smem:$0x3FB6] =	sst s0;
	s0 =	simm.s32 @!p1 $0x0  }
0x14: {  	s2 =	sld [smem:$0x3F9A];
	s0 =	simm.s32 @p1 $0x1  }
0x15: {  	[smem:$0x3FB7] =	sst s0;
	s0 =	simm.s32 @!p2 $0x0  }
0x16: {  	s3 =	sld [smem:$0x3FDB];
	s0 =	simm.s32 @p2 $0x1  }
0x17: {  	s4 =	simm.s32 $0x1BF5;
	[smem:$0x3FB9] =	sst s0  }
0x18: {  	s0 =	sld [smem:$0x3F9C];
	_ =	swait.ge [sflag:s4], $0x0  }
0x19: {  	s7 =	sld [smem:$0x3F9D]  }
0x1a: {  	s8 =	sadd.s32 $0xFFFFE003, lr  }
0x1b: {  	s9 =	sadd.s32 $0xFFFFFEF7, lr;
	s5 =	simm.s32 $0xFFFFFFFF;
	p2 =	slt.u32 s8, $0xFFFFF086  }
0x1c: {  	p1 =	slt.u32 s9, $0xF7A;
	s5 =	simm.s32 @!p2 $0x0  }
0x1d: {  	s5 =	simm.s32 @p1 $0x1;
	p0 =	seq.s32 s7, s2  }
0x1e: {  	s7 =	smul.u32 @!p0 $0xF7A, s2;
	p2 =	seq.s32 @!p0 s5, $0x0  }
0x1f: {  	s9 =	smul.u32 $0xF7A, s1;
	s8 =	simm.s32 @!p0 $0x1BF5;
	p2 =	por !p2, p0  }
0x20: {  	[sflag:s8] =	ssyncset.s32 @!p0 $0xFFFFF086;
	s6 =	sadd.s32 @!p0 s3, s7;
	s7 =	simm.s32 @!p0 $0x108  }
0x21: {  	s3 =	sadd.s32 s3, s9;
	s6 =	sadd.s32 @!p0 $0x88, s6;
	s7 =	simm.s32 @p2 $0x1082  }
0x22: {  	[simem:s7], [sflag:s8] =	dma.local @!p0 [hbm:s6], $0xF7A  }
0x23: {  	s9 =	sor.u32 $0xD0000000, s2;
	s6 =	simm.s32 $0x108;
	_ =	swait.ge @!p0 [sflag:s8], $0x0  }
0x24: {  	s3 =	sadd.s32 $0x88, s3;
	s6 =	simm.s32 @!p1 $0x1082;
	[sflag:s4] =	ssyncset.s32 $0xFFFFF086  }
0x25: {  	[simem:s6], [sflag:s4] =	dma.local [hbm:s3], $0xF7A  }
0x26: {  	[smem:$0x3F9D] =	sst s1;
	(tag) =	ssettag s2;
	_ =	strace s9  }
0x27: {  	s1 =	sld [smem:$0x3FAD]  }
0x28: {  	s2 =	sld [smem:$0x3FAE]  }
0x29: {  	s4 =	sld [smem:$0x3FB0]  }
0x2a: {  	p0 =	seq.s32 s5, $0x0;
	s5 =	sld [smem:$0x3FB1]  }
0x2b: {  	s6 =	sld [smem:$0x3FB2]  }
0x2c: {  	s7 =	sld [smem:$0x3FB3]  }
0x2d: {  	s3 =	simm.s32 $0x108;
	s8 =	sld [smem:$0x3FB4]  }
0x2e: {  	s3 =	simm.s32 @!p0 $0x1082;
	s9 =	sld [smem:$0x3FB5]  }
0x2f: {  	lr =	sadd.s32 s0, s3;
	s0 =	sld [smem:$0x3FAC]  }
0x30: {  	s3 =	sld [smem:$0x3FAF]  }
0x31: {  	[smem:$0x3FB8] =	sst s10  }
0x32: {  	s10 =	sld [smem:$0x3FB6];
	_ =	sdelay $0x3  }
0x33: {  	p0 =	seq.s32 s10, $0x1;
	s10 =	sld [smem:$0x3FB8];
	_ =	sdelay $0x3  }
0x34: {  	[smem:$0x3FB8] =	sst s10  }
0x35: {  	s10 =	sld [smem:$0x3FB7];
	_ =	sdelay $0x3  }
0x36: {  	p1 =	seq.s32 s10, $0x1;
	s10 =	sld [smem:$0x3FB8];
	_ =	sdelay $0x3  }
0x37: {  	[smem:$0x3FB8] =	sst s10  }
0x38: {  	s10 =	sld [smem:$0x3FB9]  }
0x39: {  	_ = 	snop;
	(pc) =	sbr.ind lr, $3  }
0x3a: {  	_ = 	snop  }
0x3b: {  	_ = 	snop  }
0x3c: {  	p2 =	seq.s32 s10, $0x1;
	s10 =	sld [smem:$0x3FB8]  }
0x3d: {  	_ =	shalt  }
0x3e: {  	_ =	shalt  }
0x3f: {  	_ =	shalt  }
0x40: {  	_ =	shalt  }
0x41: {  	_ =	shalt  }
0x42: {  	_ =	shalt  }
0x43: {  	_ =	shalt  }
0x44: {  	_ =	shalt  }
0x45: {  	_ =	shalt  }
0x46: {  	_ =	shalt  }
0x47: {  	_ =	shalt  }
0x48: {  	_ =	shalt  }
0x49: {  	_ =	shalt  }
0x4a: {  	_ =	shalt  }
0x4b: {  	_ =	shalt  }
0x4c: {  	_ =	shalt  }
0x4d: {  	_ =	shalt  }
0x4e: {  	_ =	shalt  }
0x4f: {  	_ =	shalt  }
0x50: {  	_ =	shalt  }
0x51: {  	_ =	shalt  }
0x52: {  	_ =	shalt  }
0x53: {  	_ =	shalt  }
0x54: {  	_ =	shalt  }
0x55: {  	_ =	shalt  }
0x56: {  	_ =	shalt  }
0x57: {  	_ =	shalt  }
0x58: {  	_ =	shalt  }
0x59: {  	_ =	shalt  }
0x5a: {  	_ =	shalt  }
0x5b: {  	_ =	shalt  }
0x5c: {  	_ =	shalt  }
0x5d: {  	_ =	shalt  }
0x5e: {  	_ =	shalt  }
0x5f: {  	_ =	shalt  }
0x60: {  	_ =	shalt  }
0x61: {  	_ =	shalt  }
0x62: {  	_ =	shalt  }
0x63: {  	_ =	shalt  }
0x64: {  	_ =	shalt  }
0x65: {  	_ =	shalt  }
0x66: {  	_ =	shalt  }
0x67: {  	_ =	shalt  }
0x68: {  	_ =	shalt  }
0x69: {  	_ =	shalt  }
0x6a: {  	_ =	shalt  }
0x6b: {  	_ =	shalt  }
0x6c: {  	_ =	shalt  }
0x6d: {  	_ =	shalt  }
0x6e: {  	_ =	shalt  }
0x6f: {  	_ =	shalt  }
0x70: {  	_ =	shalt  }
0x71: {  	_ =	shalt  }
0x72: {  	_ =	shalt  }
0x73: {  	_ =	shalt  }
0x74: {  	_ =	shalt  }
0x75: {  	_ =	shalt  }
0x76: {  	_ =	shalt  }
0x77: {  	_ =	shalt  }
0x78: {  	_ =	shalt  }
0x79: {  	_ =	shalt  }
0x7a: {  	_ =	shalt  }
0x7b: {  	_ =	shalt  }
0x7c: {  	_ =	shalt  }
0x7d: {  	_ =	shalt  }
0x7e: {  	_ =	shalt  }
0x7f: {  	_ =	shalt  }
0x80: {  	_ =	shalt  }
0x81: {  	_ =	shalt  }
0x82: {  	_ =	shalt  }
0x83: {  	_ =	shalt  }
0x84: {  	_ =	shalt  }
0x85: {  	_ =	shalt  }
0x86: {  	_ =	shalt  }
0x87: {  	_ =	shalt  }
.Lfunc_end0:
.L_simem_size_0:
called_computation.1_lowered:
.L_overlay_start_0:
0x88: {  	s2 =	sld [smem:$0x3FD9]  }
0x89: {  	s3 =	sld [smem:$0x3FFE];
	_ =	sdelay $0x1  }
0x8a: {  	s1 =	srdreg.scid  }
0x8b: {  	s0 =	sand.u32 $0x1, s1  }
0x8c: {  	s16 =	sshll.u32 s0, $0xA;
	s2 =	sadd.s32 s3, s2  }
0x8d: {  	s2 =	sadd.s32 s2, s16  }
0x8e: {  	[smem:$0x3FC4] =	sst s2  }
0x8f: {  	_ = 	snop  }
0x90: {  	(tm) =	ssettm $0x1  }
0x91: {  	s17 =	sld [smem:$0x3FFB];
	_ =	sdelay $0x3  }
0x92: {  	_ =	strace s17  }
0x93: {  	s2 =	sld [smem:$0x3FFC];
	_ =	sdelay $0x3  }
0x94: {  	_ =	strace s2  }
0x95: {  	s2 =	sld [smem:$0x3FFD];
	_ =	sdelay $0x3  }
0x96: {  	_ =	strace s2  }
0x97: {  	_ =	strace $0x8FFFFFFF  }
0x98: {  	s18 =	sld [smem:$0x3FDB];
	_ =	sdelay $0x1  }
0x99: {  	s19 =	simm.s32 $_scs_section_size  }
0x9a: {  	s4 =	simm.s32 $_size__tile_overlayer_lowered;
	s5 =	simm.s32 $_tile_overlayer_lowered  }
0x9b: {  	s22 =	simm.s32 $0x1BFF;
	s21 =	sshll.u32 s5, $0x1;
	s2 =	sadd.s32 s19, s18  }
0x9c: {  	s6 =	simm.s32 $0x0;
	s20 =	sshll.u32 s4, $0x1;
	s4 =	sadd.s32 s21, s2  }
0x9d: {  	[timem:s6], [sflag:s22] =	dma.local [hbm:s4], s20  }
0x9e: {  	_ =	swait.ge [sflag:s22], s20  }
0x9f: {  	s3 =	ssub.s32 $0x0, s20;
	[sflag:s22] =	ssyncset.done $0x0  }
0xa0: {  	[sflag:s22] =	ssyncadd.s32 s3;
	_ =	sdelay $0x1  }
0xa1: {  	s23 =	simm.s32 $0x1B8B  }
0xa2: {  	_ =	swait.ge [sflag:s23], $0x1  }
0xa3: {  	[sflag:s23] =	ssyncset.done $0x0  }
0xa4: {  	s25 =	simm.s32 $0x1B8E;
	s24 =	sld [smem:$0x3FFE];
	[sflag:s23] =	ssyncadd.s32 $0xFFFFFFFF  }
0xa5: {  	s26 =	simm.s32 $execute0_lowered;
	[smem:$0x3FD2] =	sst s25  }
0xa6: {  	s4 =	sshll.u32 s26, $0x1;
	_ =	strace $0x80000049;
	[dreg:$0x1] =	wrdreg $0xFFFFFFFF  }
0xa7: {  	s28 =	simm.s32 $_size_execute0_lowered;
	s2 =	sadd.s32 s2, s4;
	[dreg:$0x0] =	wrdreg $0x0  }
0xa8: {  	s4 =	sshll.u32 s28, $0x1;
	[dreg:$0x2] =	wrdreg s2  }
0xa9: {  	[dreg:$0x3] =	wrdreg s4  }
0xaa: {  	[dreg:$0x4] =	wrdreg $0xC0  }
0xab: {  	_ =	task [dreg:s6], $0x5FFFF  }
0xac: {  	[dreg:$0x1] =	wrdreg $0xFFFFFFFF  }
0xad: {  	[dreg:$0x0] =	wrdreg $0x60  }
0xae: {  	[dreg:$0x2] =	wrdreg s24  }
0xaf: {  	[dreg:$0x3] =	wrdreg $0xCB200  }
0xb0: {  	[dreg:$0x4] =	wrdreg $0x12F200  }
0xb1: {  	[dreg:$0x5] =	wrdreg $0x9  }
0xb2: {  	_ =	task.clear_ibuf [dreg:s6], $0x6FFFF;
	_ =	strace $0x90000049  }
0xb3: {  	s29 =	simm.s32 $0x9;
	_ =	strace $0x8000004B  }
0xb4: {  	_ =	swait.ge [sflag:s29], $0x1  }
0xb5: {  	[sflag:s29] =	ssyncadd.s32 $0xFFFFFFFF  }
0xb6: {  	_ =	strace $0x9000004B  }
0xb7: {  	_ =	sfence  }
0xb8: {  	s30 =	sld [smem:$0x0];
	_ =	sdelay $0x2  }
0xb9: {  	s31 =	sshll.u32 s1, $0xD;
	s1 =	sshrl.u32 s1, $0x2  }
0xba: {  	s3 =	sand.u32 $0x4000, s31;
	s1 =	sadd.s32 s1, s30  }
0xbb: {  	s0 =	sor.u32 s3, s0;
	s1 =	sshll.u32 s1, $0x11  }
0xbc: {  	s0 =	sor.u32 s1, s0  }
0xbd: {  	s0 =	sadd.s32 $0x8F2B, s0  }
0xbe: {  	[sflag:s0] =	ssyncadd.remote.s32 $0x1  }
0xbf: {  	_ =	sfence.sel $0xFFFF  }
0xc0: {  	[dreg:$0x0] =	wrdreg $0xFFFFFFFF;
	(pc) =	sbr.abs _section_cstart, $3  }
0xc1: {  	[dreg:$0x1] =	wrdreg $0xFFFFFFFF  }
0xc2: {  	_ =	task.clear_ibuf [dreg:s6], $0x2FFFF;
	_ =	strace $0x9FFFFFFF  }
0xc3: {  	(tm) =	ssettm $0x7FFFFFFF  }
tec
execute0_lowered:
.L_overlay_start_1:
0x0: {  	(tag) =	ssettag $0x1  }
0x1: {  	s1 =	srdreg.scid;
	s5 =	rddreg [dreg:$0x0]  }
0x2: {  	s0 =	stileid.u32;
	s2 =	rddreg [dreg:$0x1]  }
0x3: {  	s3 =	rddreg [dreg:$0x2];
	s4 =	simm.s32 $0x0;
	s16 =	simm.s32 $0x1  }
0x4: {  	s17 =	simm.s32 $0xC8;
	s18 =	simm.s32 $0x4E20;
	s19 =	simm.s32 $0x6D60  }
0x5: {  	s20 =	simm.s32 $0x2;
	s21 =	simm.s32 $0x4C90;
	s22 =	simm.s32 $0x4D58  }
0x6: {  	s23 =	simm.s32 $0x3;
	s24 =	simm.s32 $0x0;
	s6 =	sand.u32 $0x1, s1  }
0x7: {  	s31 =	sshll.u32 s0, $0x1;
	s8 =	smul.u32 $0x6400, s0;
	[smem:$0x7FF] =	sst s4  }
0x8: {  	s1 =	sor.u32 s6, s31;
	s9 =	smul.u32 $0x64000, s6;
	_ =	strace $0x8000004A  }
0x9: {  	s10 =	ssub.s32 $0x2, s6;
	p0 =	seq.s32 s6, $0x1;
	s7 =	smul.u32 $0x2710, s1  }
0xa: {  	s11 =	sshrl.u32 s8, $0x3;
	s12 =	sshrl.u32 s10, $0x1;
	s13 =	sadd.s32 s8, s2  }
0xb: {  	s15 =	sadd.s32 s8, s3;
	s9 =	sadd.s32 s8, s9;
	s11 =	sadd.s32 s11, s5  }
0xc: {  	s12 =	ssub.s32 s10, s12;
	s10 =	sshll.u32 s0, $0x6;
	s13 =	sshrl.u32 s13, $0x3  }
0xd: {  	s15 =	sshrl.u32 s15, $0x3;
	s7 =	sshrl.u32 s7, $0x3;
	s9 =	sshrl.u32 s9, $0x3  }
0xe: {  	s14 =	sadd.s32 $0x21800, s11;
	s7 =	sadd.s32 s7, s5;
	s9 =	sadd.s32 s9, s5  }
0xf: {  	s5 =	sadd.s32 $0x15000, s11;
	s11 =	smax.u32 s12, $0x1;
	s12 =	sor.u32 $0x1C01, s10  }
0x10: {  	s6 =	sadd.s32 $0x1600, s7;
	s8 =	sadd.s32 $0x2E000, s9;
	s9 =	smov.u32 s5  }
0x11: {  	s7 =	sadd.s32 $0xB240, s7;
	s9 =	smov.u32 @p0 s14;
	s14 =	simm.s32 $0x2710  }
.LBB2_1:
0x12: {  	[spmem:s13], [sflag:s12] =	dma.local [hbm:s9], $0xC80  }
0x13: {  	[tilespmem:s4], [sflag:$0x1] =	stream.linear.gather [hbm4b:s6+s4], $0x2710, $0x38;
	[tilespmem:$0x19320] =	vst v63  }
0x14: {  	_ = 	snop  }
0x15: {  	[tilespmem:s14], [sflag:$0x1] =	stream.linear.gather [hbm4b:s7+s4], $0x2710, $0x38;
	[tilespmem:$0x19320] =	vst v63  }
0x16: {  	[spmem:s15], [sflag:s12] =	dma.local [hbm:s5], $0xC80  }
0x17: {  	_ =	swait.ge [sflag:s16], $0xC80  }
0x18: {  	[sflag:s16] =	ssyncset.done $0x0  }
0x19: {  	[sflag:s16] =	ssyncadd.s32 $0xFFFFF380  }
0x1a: {  	_ =	swait.ge [sflag:s16], $0x2710  }
0x1b: {  	[sflag:s16] =	ssyncset.done $0x0  }
0x1c: {  	[sflag:s16] =	ssyncadd.s32 $0xFFFFD8F0  }
0x1d: {  	_ =	swait.ge [sflag:s16], $0x2710  }
0x1e: {  	[sflag:s16] =	ssyncset.done $0x0  }
0x1f: {  	[sflag:s16] =	ssyncadd.s32 $0xFFFFD8F0  }
0x20: {  	_ =	swait.ge [sflag:s16], $0xC80  }
0x21: {  	[sflag:s16] =	ssyncset.done $0x0  }
0x22: {  	[sflag:s16] =	ssyncadd.s32 $0xFFFFF380  }
0x23: {  	[bflag:$0x0] =	sbarrier.arrive $0xFFFF  }
0x24: {  	[tilespmem:s18], [sflag:$0x1] =	stream.indirect.gather [spmem:s3], $0x28, s4, s17, $0xb8;
	[tilespmem:$0x19320] =	vst v63  }
0x25: {  	_ = 	snop  }
0x26: {  	[tilespmem:s19], [sflag:$0x1] =	stream.indirect.gather [spmem:s3], $0x28, s17, s17, $0xb8;
	[tilespmem:$0x19320] =	vst v63  }
0x27: {  	s25 =	sand.u32 $0x1, s4;
	_ =	swait.ge [sflag:s16], $0x1F40  }
0x28: {  	s26 =	sxor.u32 $0x1, s25;
	[sflag:s16] =	ssyncset.done $0x0  }
0x29: {  	s26 =	smul.u32 $0xFA00, s26;
	[sflag:s16] =	ssyncadd.s32 $0xFFFFE0C0  }
0x2a: {  	_ =	swait.ge [sflag:s16], $0x1F40  }
0x2b: {  	s29 =	simm.s32 $0x190;
	s26 =	sshrl.u32 s26, $0x2;
	[sflag:s16] =	ssyncset.done $0x0  }
0x2c: {  	s28 =	smul.u32 $0xFA00, s25;
	s1 =	sadd.s32 $0x4E20, s26;
	[sflag:s16] =	ssyncadd.s32 $0xFFFFE0C0  }
0x2d: {  	[tilespmem:s1], [sflag:$0x1] =	stream.indirect.gather [spmem:s3], $0x28, s29, s17, $0xb8;
	[tilespmem:$0x19320] =	vst v63  }
0x2e: {  	s25 =	simm.s32 $0x258;
	s28 =	sshrl.u32 s28, $0x2;
	s26 =	sadd.s32 $0x6D60, s26  }
0x2f: {  	[tilespmem:s26], [sflag:$0x1] =	stream.indirect.gather [spmem:s3], $0x28, s25, s17, $0xb8;
	[tilespmem:$0x19320] =	vst v63  }
0x30: {  	s31 =	simm.s32 $0x2710;
	s30 =	sadd.s32 $0x4E20, s28  }
0x31: {  	[spmem:s2] =	stream.indirect.scatter.add.f32 [tilespmem:s30], [sflag:$0x2], $0x28, s31, s17, $0xb8;
	[tilespmem:$0x19320] =	vst v63  }
0x32: {  	s28 =	sadd.s32 $0x6D60, s28;
	s26 =	simm.s32 $0x27D8  }
0x33: {  	[spmem:s2] =	stream.indirect.scatter.add.f32 [tilespmem:s28], [sflag:$0x2], $0x28, s26, s17, $0xb8;
	[tilespmem:$0x19320] =	vst v63  }
0x34: {  	_ =	swait.ge [sflag:s20], $0x1F40  }
0x35: {  	[sflag:s20] =	ssyncset.done $0x0  }
0x36: {  	[sflag:s20] =	ssyncadd.s32 $0xFFFFE0C0  }
0x37: {  	_ =	swait.ge [sflag:s20], $0x1F40  }
0x38: {  	s28 =	simm.s32 $0x1;
	[sflag:s20] =	ssyncset.done $0x0  }
.LBB2_2:
0x39: {  	[sflag:s20] =	ssyncadd.s32 $0xFFFFE0C0;
	s26 =	sadd.s32 $0x190, s26;
	s25 =	sadd.s32 $0x190, s25  }
0x3a: {  	s29 =	sand.u32 $0x1, s28;
	p0 =	sne.s32 s28, $0x17;
	_ =	swait.ge [sflag:s16], $0x1F40  }
0x3b: {  	s30 =	smul.u32 $0xFA00, s29;
	s29 =	sxor.u32 $0x1, s29;
	[sflag:s16] =	ssyncset.done $0x0  }
0x3c: {  	s28 =	sadd.s32 $0x1, s28;
	s29 =	smul.u32 $0xFA00, s29;
	[sflag:s16] =	ssyncadd.s32 $0xFFFFE0C0  }
0x3d: {  	s30 =	sshrl.u32 s30, $0x2;
	_ =	swait.ge [sflag:s16], $0x1F40  }
0x3e: {  	s29 =	sshrl.u32 s29, $0x2;
	[sflag:s16] =	ssyncset.done $0x0  }
0x3f: {  	s1 =	sadd.s32 $0xFFFFFF38, s25;
	s31 =	sadd.s32 $0x4E20, s29;
	[sflag:s16] =	ssyncadd.s32 $0xFFFFE0C0  }
0x40: {  	[tilespmem:s31], [sflag:$0x1] =	stream.indirect.gather [spmem:s3], $0x28, s1, s17, $0xb8;
	[tilespmem:$0x19320] =	vst v63  }
0x41: {  	s1 =	sadd.s32 $0x6D60, s29  }
0x42: {  	[tilespmem:s1], [sflag:$0x1] =	stream.indirect.gather [spmem:s3], $0x28, s25, s17, $0xb8;
	[tilespmem:$0x19320] =	vst v63  }
0x43: {  	s29 =	sadd.s32 $0xFFFFFF38, s26;
	s1 =	sadd.s32 $0x4E20, s30  }
0x44: {  	[spmem:s2] =	stream.indirect.scatter.add.f32 [tilespmem:s1], [sflag:$0x2], $0x28, s29, s17, $0xb8;
	[tilespmem:$0x19320] =	vst v63  }
0x45: {  	s1 =	sadd.s32 $0x6D60, s30  }
0x46: {  	[spmem:s2] =	stream.indirect.scatter.add.f32 [tilespmem:s1], [sflag:$0x2], $0x28, s26, s17, $0xb8;
	[tilespmem:$0x19320] =	vst v63  }
.Ltmp0:
0x47: {  	_ =	swait.ge [sflag:s20], $0x1F40;
	(pc) =	sbr.rel @p0 .LBB2_2-.Ltmp0, $4  }
0x48: {  	[sflag:s20] =	ssyncset.done $0x0  }
0x49: {  	[sflag:s20] =	ssyncadd.s32 $0xFFFFE0C0  }
0x4a: {  	_ =	swait.ge [sflag:s20], $0x1F40  }
0x4b: {  	[sflag:s20] =	ssyncset.done $0x0  }
0x4c: {  	[sflag:s20] =	ssyncadd.s32 $0xFFFFE0C0  }
0x4d: {  	_ =	swait.ge [sflag:s16], $0x1F40  }
0x4e: {  	[sflag:s16] =	ssyncset.done $0x0  }
0x4f: {  	[sflag:s16] =	ssyncadd.s32 $0xFFFFE0C0  }
0x50: {  	_ =	swait.ge [sflag:s16], $0x1F40  }
0x51: {  	[sflag:s16] =	ssyncset.done $0x0  }
0x52: {  	[sflag:s16] =	ssyncadd.s32 $0xFFFFE0C0  }
0x53: {  	[spmem:s2] =	stream.indirect.scatter.add.f32 [tilespmem:s18], [sflag:$0x2], $0x28, s21, s17, $0xb8;
	[tilespmem:$0x19320] =	vst v63  }
0x54: {  	_ = 	snop  }
0x55: {  	[spmem:s2] =	stream.indirect.scatter.add.f32 [tilespmem:s19], [sflag:$0x2], $0x28, s22, s17, $0xb8;
	[tilespmem:$0x19320] =	vst v63  }
0x56: {  	_ =	swait.ge [sflag:s20], $0x1F40  }
0x57: {  	[sflag:s20] =	ssyncset.done $0x0  }
0x58: {  	[sflag:s20] =	ssyncadd.s32 $0xFFFFE0C0  }
0x59: {  	_ =	swait.ge [sflag:s20], $0x1F40  }
0x5a: {  	s24 =	sadd.s32 $0x1, s24;
	[sflag:s20] =	ssyncset.done $0x0  }
0x5b: {  	p0 =	sne.s32 s24, s11;
	[sflag:s20] =	ssyncadd.s32 $0xFFFFE0C0  }
.Ltmp1:
0x5c: {  	s1 =	sor.u32 $0x1C03, s10;
	[bflag:$0x0] =	sbarrier.arrive $0xFFFF;
	(pc) =	sbr.rel @p0 .LBB2_1-.Ltmp1, $4  }
0x5d: {  	[hbm:s8], [sflag:s1] =	dma.local [spmem:s13], $0xC80  }
0x5e: {  	_ =	swait.ge [sflag:s23], $0xC80  }
0x5f: {  	[sflag:s23] =	ssyncset.done $0x0  }
0x60: {  	[sflag:s23] =	ssyncadd.s32 $0xFFFFF380  }
0x61: {  	_ =	sfence.sel $0x180000  }
0x62: {  	[bflag:$0x0] =	sbarrier.arrive $0xFFFF  }
0x63: {  	_ =	strace $0x9000004A  }
0x64: {  	[bflag:$0x2] =	sbarrier.arrive $0xFFFF  }
0x65: {  	p0 =	sne.s32 s0, $0x0;
	s0 =	rddreg [dreg:$0x3]  }
0x66: {  	s0 =	sadd.s32 @!p0 $0x100000, s0  }
0x67: {  	[sflag:s0] =	ssyncadd.tile.s32 @!p0 $0x1;
	_ =	shalt  }
.Lfunc_end2:
_tile_overlayer_lowered:
.L_overlay_start_2:
0x68: {  	(tag) =	ssettag $0x2  }
0x69: {  	s0 =	rddreg [dreg:$0x0];
	s2 =	stileid.u32  }
0x6a: {  	s1 =	rddreg [dreg:$0x1];
	p0 =	sne.s32 s2, $0x0  }
0x6b: {  	s3 =	rddreg [dreg:$0x2];
	[bflag:$0x3] =	sbarrier.arrive $0xFFFF;
	s2 =	simm.s32 @!p0 $0x1C03  }
0x6c: {  	[timem:s3], [sflag:s2] =	dma.local @!p0 [hbm:s0], s1  }
0x6d: {  	s0 =	simm.s32 @!p0 $0x3  }
0x6e: {  	_ =	swait.ge @!p0 [sflag:s0], s1  }
0x6f: {  	s1 =	ssub.s32 @!p0 $0x0, s1;
	[sflag:s0] =	ssyncset.done @!p0 $0x0  }
0x70: {  	[sflag:s0] =	ssyncadd.s32 @!p0 s1  }
0x71: {  	[bflag:$0x3] =	sbarrier.arrive $0xFFFF  }
0x72: {  	_ =	shalt  }

</sc_bundles>
